<compile_context>
chip_gen: v7x
topology: tpu7x:2x2x1
jax: 0.10.2.dev20260603
libtpu: 0.0.44.dev20260713+nightly
codegen_flags: <defaults>
</compile_context>

<pallas_src>
import functools

import jax
import jax.numpy as jnp
from jax import lax
from jax.experimental import pallas as pl
from jax.experimental.pallas import tpu as pltpu
from jax.experimental.pallas import tpu_sc as plsc

NC = 2
NS = 16
NW = NC * NS
LANES = 16


def _round_up(v, m):
    return (v + m - 1) // m * m


def _mesh():
    return plsc.VectorSubcoreMesh(
        core_axis_name="c", subcore_axis_name="s", num_cores=NC, num_subcores=NS
    )


def _edge_split(e):
    esl = (e // (NS * 128)) * 128
    edma = e - esl * (NS - 1)
    return esl, edma


def _rsqrt16(a):
    ii = plsc.bitcast(a, jnp.int32)
    r = plsc.bitcast(jnp.int32(0x5F3759DF) - (ii >> 1), jnp.float32)
    for _ in range(3):
        r = r * (1.5 - 0.5 * a * r * r)
    return r


@functools.lru_cache(maxsize=None)
def _make_sc(e, np_, n):
    esl, edma = _edge_split(e)
    half = np_ // NC
    accn = half + LANES
    sub = half // NS
    fch = np_ // NS

    @functools.partial(
        pl.kernel,
        out_type=(
            jax.ShapeDtypeStruct((n,), jnp.float32),
            jax.ShapeDtypeStruct((NC, NS, np_), jnp.float32),
            jax.ShapeDtypeStruct((np_,), jnp.float32),
            jax.ShapeDtypeStruct((np_,), jnp.float32),
            jax.ShapeDtypeStruct((np_,), jnp.float32),
            jax.ShapeDtypeStruct((NC, NS, half), jnp.float32),
        ),
        mesh=_mesh(),
        scratch_types=[
            pltpu.VMEM((2, edma), jnp.int32),
            pltpu.VMEM((np_,), jnp.float32),
            pltpu.VMEM((NS, fch), jnp.float32),
            pltpu.VMEM((fch,), jnp.float32),
            pltpu.VMEM((fch,), jnp.float32),
            pltpu.VMEM((fch,), jnp.float32),
            pltpu.VMEM((fch,), jnp.float32),
            pltpu.VMEM((np_,), jnp.float32),
            pltpu.VMEM((accn,), jnp.float32),
            pltpu.VMEM((NS, sub), jnp.float32),
            pltpu.VMEM((sub,), jnp.float32),
            pltpu.VMEM((sub,), jnp.float32),
            pltpu.VMEM((sub,), jnp.float32),
            pltpu.VMEM((LANES,), jnp.float32),
            pltpu.SemaphoreType.DMA,
        ],
        compiler_params=pltpu.CompilerParams(needs_layout_passes=False),
    )
    def sck(edge_hbm, y_hbm, b_hbm,
            out_hbm, hstage, zs, dvs, ws, astage,
            ebuf, hist_v, colh, ych, zch, dch, wch, z_v, acc_v, cola,
            dinv_v, w_v, out_v, b_v, sem):
        cid = lax.axis_index("c")
        sid = lax.axis_index("s")
        lo = pl.multiple_of(cid * half, 128)
        own = pl.multiple_of(lo + sid * sub, 128)
        start = pl.multiple_of(sid * esl, 128)
        fstart = pl.multiple_of(sid * fch, 128)

        cp1 = pltpu.async_copy(
            edge_hbm.at[pl.ds(0, 2), pl.ds(start, edma)], ebuf, sem
        )
        cp2 = pltpu.async_copy(y_hbm.at[pl.ds(fstart, fch)], ych, sem)
        cp3 = pltpu.async_copy(b_hbm, b_v, sem)

        def zero_hist(i, c):
            hist_v[pl.ds(i * LANES, LANES)] = jnp.zeros((LANES,), jnp.float32)
            return c

        lax.fori_loop(0, np_ // LANES, zero_hist, 0, unroll=8)
        cp1.wait()
        cp2.wait()
        cp3.wait()

        ones = jnp.ones((LANES,), jnp.float32)

        def hbody(i):
            d = ebuf[1, pl.ds(i, LANES)]
            plsc.addupdate_scatter(hist_v, [d], ones)

        plsc.parallel_loop(0, esl, LANES, unroll=8)(hbody)

        @pl.when(sid == NS - 1)
        def _htail():
            plsc.parallel_loop(esl, edma, LANES, unroll=1)(hbody)

        pltpu.sync_copy(hist_v, hstage.at[cid, sid])
        plsc.subcore_barrier()
        pltpu.sync_copy(hstage.at[cid, pl.ds(0, NS), pl.ds(fstart, fch)], colh)

        def fold1(j, c):
            s16 = colh[0, pl.ds(j * LANES, LANES)]
            for r in range(1, NS):
                s16 = s16 + colh[r, pl.ds(j * LANES, LANES)]
            a = s16 + 1.0
            rinv = _rsqrt16(a)
            yj = ych[pl.ds(j * LANES, LANES)]
            zj = rinv * yj
            zch[pl.ds(j * LANES, LANES)] = zj
            dch[pl.ds(j * LANES, LANES)] = rinv
            wch[pl.ds(j * LANES, LANES)] = rinv * zj + b_v[...]
            return c

        lax.fori_loop(0, fch // LANES, fold1, 0, unroll=2)

        cp4 = pltpu.async_copy(zch, zs.at[pl.ds(fstart, fch)], sem)
        cp5 = pltpu.async_copy(dch, dvs.at[pl.ds(fstart, fch)], sem)
        cp6 = pltpu.async_copy(wch, ws.at[pl.ds(fstart, fch)], sem)

        def zero_acc(i, c):
            acc_v[pl.ds(i * LANES, LANES)] = jnp.zeros((LANES,), jnp.float32)
            return c

        lax.fori_loop(0, accn // LANES, zero_acc, 0, unroll=8)
        cp4.wait()
        cp5.wait()
        cp6.wait()
        plsc.subcore_barrier()

        cp7 = pltpu.async_copy(zs, z_v, sem)
        cp8 = pltpu.async_copy(dvs.at[pl.ds(own, sub)], dinv_v, sem)
        cp9 = pltpu.async_copy(ws.at[pl.ds(own, sub)], w_v, sem)
        cp7.wait()
        cp8.wait()
        cp9.wait()

        def gbody(i):
            s = ebuf[0, pl.ds(i, LANES)]
            d = ebuf[1, pl.ds(i, LANES)]
            v = plsc.load_gather(z_v, [s])
            rel = d - lo
            ok = (rel >= 0) & (rel < half)
            idx2 = jnp.where(ok, rel, half)
            plsc.addupdate_scatter(acc_v, [idx2], v)

        plsc.parallel_loop(0, esl, LANES, unroll=8)(gbody)

        @pl.when(sid == NS - 1)
        def _gtail():
            plsc.parallel_loop(esl, edma, LANES, unroll=1)(gbody)

        pltpu.sync_copy(acc_v.at[pl.ds(0, half)], astage.at[cid, sid])
        plsc.subcore_barrier()
        pltpu.sync_copy(
            astage.at[cid, pl.ds(0, NS),
                      pl.ds(pl.multiple_of(sid * sub, 128), sub)],
            cola,
        )

        def fold2(j, c):
            a16 = cola[0, pl.ds(j * LANES, LANES)]
            for r in range(1, NS):
                a16 = a16 + cola[r, pl.ds(j * LANES, LANES)]
            dj = dinv_v[pl.ds(j * LANES, LANES)]
            wj = w_v[pl.ds(j * LANES, LANES)]
            out_v[pl.ds(j * LANES, LANES)] = wj + dj * a16
            return c

        lax.fori_loop(0, sub // LANES, fold2, 0, unroll=2)

        @pl.when(own + sub <= n)
        def _full():
            pltpu.sync_copy(out_v, out_hbm.at[pl.ds(own, sub)])

        rem = n % sub
        if rem:
            @pl.when((own < n) & (own + sub > n))
            def _part():
                pltpu.sync_copy(
                    out_v.at[pl.ds(0, rem)], out_hbm.at[pl.ds(own, rem)]
                )

    return sck


def _t1a_body(x_ref, wt_ref, b_ref, y_ref, b16_ref):
    y = lax.dot_general(
        wt_ref[...], x_ref[...],
        dimension_numbers=(((1,), (1,)), ((), ())),
        preferred_element_type=jnp.float32,
    )
    y_ref[...] = y[0]
    b16_ref[...] = jnp.broadcast_to(b_ref[...], (LANES,))


def kernel(x, edge_index, W, b):
    n, d_in = x.shape
    e = edge_index.shape[1]
    BL = 4096
    np_ = _round_up(n, NC * NS * 128)
    gr = np_ // BL
    xg = -(-n // BL) - 1

    wt = W.T

    y, b16 = pl.pallas_call(
        _t1a_body,
        grid=(gr,),
        in_specs=[
            pl.BlockSpec((BL, d_in), lambda i: (jnp.minimum(i, xg), 0)),
            pl.BlockSpec((1, d_in), lambda i: (0, 0)),
            pl.BlockSpec((1,), lambda i: (0,)),
        ],
        out_specs=[
            pl.BlockSpec((BL,), lambda i: (i,)),
            pl.BlockSpec((LANES,), lambda i: (0,)),
        ],
        out_shape=[
            jax.ShapeDtypeStruct((np_,), jnp.float32),
            jax.ShapeDtypeStruct((LANES,), jnp.float32),
        ],
    )(x, wt, b)

    out = _make_sc(e, np_, n)(edge_index, y, b16)[0]

    return out.reshape(n, 1)

# --- scband reference (transcript-rebuilt; emitter-appended) ---
"""Pipeline reference for scband-gnn-rr-12841952215443 (READ-ONLY COPY).

The authoritative reference and input builder live on the scoring server;
editing this copy changes nothing except your own understanding.
"""

import jax, jax.numpy as jnp
import numpy as np

N = 10000
E = 160000
D_IN = 256
D_OUT = 1


def setup_inputs(seed: int = 0) -> dict:
    key = jax.random.key(seed)
    k1, k2, k3 = jax.random.split(key, 3)
    x = jax.random.normal(k1, (N, D_IN), dtype=jnp.float32)
    edge_index = jax.random.randint(k2, (2, E), 0, N, dtype=jnp.int32)
    # GCNConv linear weight (glorot-ish) and bias
    W = jax.random.normal(k3, (D_IN, D_OUT), dtype=jnp.float32) * (1.0 / np.sqrt(D_IN))
    b = jnp.zeros((D_OUT,), dtype=jnp.float32)
    return {"x": x, "edge_index": edge_index, "W": W, "b": b}


def reference(x, edge_index, W, b):
    # Faithful PyG GCNConv: add self-loops, symmetric normalization,
    # linear transform, scatter-add aggregation over dst, plus bias.
    n = x.shape[0]
    src = edge_index[0]
    dst = edge_index[1]
    loops = jnp.arange(n, dtype=src.dtype)
    src = jnp.concatenate([src, loops])
    dst = jnp.concatenate([dst, loops])
    # degree computed on dst (row) with edge weight 1.0, incl. self-loops
    deg = jnp.zeros((n,), dtype=jnp.float32).at[dst].add(1.0)
    deg_inv_sqrt = jnp.where(deg > 0, 1.0 / jnp.sqrt(deg), 0.0)
    norm = deg_inv_sqrt[src] * deg_inv_sqrt[dst]
    x_lin = x @ W
    msg = norm[:, None] * x_lin[src]
    out = jnp.zeros((n, W.shape[1]), dtype=jnp.float32).at[dst].add(msg)
    out = out + b
    return out

if __name__ == "__main__":
    import jax
    _d = setup_inputs()
    print(jax.jit(kernel)(*tuple(_d.values())))

</pallas_src>

<mosaic_0001>
#map = affine_map<(d0, d1) -> (0, 0)>
#map1 = affine_map<(d0, d1) -> (0)>
#map2 = affine_map<(d0, d1) -> (0, 0, 0)>
module attributes {stable_mosaic.version = 14 : i64} {
  func.func @sck(%arg0: i32, %arg1: i32, %arg2: memref<2x160000xi32, #tpu.memory_space<hbm>>, %arg3: memref<12288xf32, #tpu.memory_space<hbm>>, %arg4: memref<16xf32, #tpu.memory_space<hbm>>, %arg5: memref<10000xf32, #tpu.memory_space<hbm>>, %arg6: memref<2x16x12288xf32, #tpu.memory_space<hbm>>, %arg7: memref<12288xf32, #tpu.memory_space<hbm>>, %arg8: memref<12288xf32, #tpu.memory_space<hbm>>, %arg9: memref<12288xf32, #tpu.memory_space<hbm>>, %arg10: memref<2x16x6144xf32, #tpu.memory_space<hbm>>, %arg11: memref<2x10240xi32, #tpu.memory_space<vmem>>, %arg12: memref<12288xf32, #tpu.memory_space<vmem>>, %arg13: memref<16x768xf32, #tpu.memory_space<vmem>>, %arg14: memref<768xf32, #tpu.memory_space<vmem>>, %arg15: memref<768xf32, #tpu.memory_space<vmem>>, %arg16: memref<768xf32, #tpu.memory_space<vmem>>, %arg17: memref<768xf32, #tpu.memory_space<vmem>>, %arg18: memref<12288xf32, #tpu.memory_space<vmem>>, %arg19: memref<6160xf32, #tpu.memory_space<vmem>>, %arg20: memref<16x384xf32, #tpu.memory_space<vmem>>, %arg21: memref<384xf32, #tpu.memory_space<vmem>>, %arg22: memref<384xf32, #tpu.memory_space<vmem>>, %arg23: memref<384xf32, #tpu.memory_space<vmem>>, %arg24: memref<16xf32, #tpu.memory_space<vmem>>, %arg25: memref<!tpu.dma_semaphore, #tpu.memory_space<semaphore_mem>>) attributes {dimension_semantics = [#tpu.dimension_semantics<core_parallel>, #tpu.dimension_semantics<subcore_parallel>], iteration_bounds = array<i64: 2, 16>, scalar_prefetch = 0 : i64, scratch_operands = 15 : i64, tpu.core_type = #tpu.core_type<sc_vector_subcore>, window_params = [{transform_indices = #map}, {transform_indices = #map1}, {transform_indices = #map1}, {transform_indices = #map1}, {transform_indices = #map2}, {transform_indices = #map1}, {transform_indices = #map1}, {transform_indices = #map1}, {transform_indices = #map2}]} {
    %mul3A = arith.constant 6144 : i32
    %mul3A_0 = arith.muli %arg0, %mul3A : i32
    %multiple_of3A = tpu.assume_multiple %mul3A_0, 128 : i32
    %mul3A_1 = arith.constant 384 : i32
    %mul3A_2 = arith.muli %arg1, %mul3A_1 : i32
    %add3A = arith.addi %multiple_of3A, %mul3A_2 : i32
    %multiple_of3A_3 = tpu.assume_multiple %add3A, 128 : i32
    %mul3A_4 = arith.constant 9984 : i32
    %mul3A_5 = arith.muli %arg1, %mul3A_4 : i32
    %multiple_of3A_6 = tpu.assume_multiple %mul3A_5, 128 : i32
    %mul3A_7 = arith.constant 768 : i32
    %mul3A_8 = arith.muli %arg1, %mul3A_7 : i32
    %multiple_of3A_9 = tpu.assume_multiple %mul3A_8, 128 : i32
    %dma_start3A = arith.constant 0 : i32
    %dma_start3A_10 = tpu.memref_slice %arg2[%dma_start3A, %multiple_of3A_6] : memref<2x160000xi32, #tpu.memory_space<hbm>> -> memref<2x10240xi32, #tpu.memory_space<hbm>>
    %dma_start3A_11 = arith.constant 0 : i32
    %dma_start3A_12 = tpu.memref_slice %arg2[%dma_start3A_11, %multiple_of3A_6] : memref<2x160000xi32, #tpu.memory_space<hbm>> -> memref<2x10240xi32, #tpu.memory_space<hbm>>
    tpu.enqueue_dma source(%dma_start3A_12 : memref<2x10240xi32, #tpu.memory_space<hbm>>) target(%arg11 : memref<2x10240xi32, #tpu.memory_space<vmem>>) target_semaphore(%arg25 : memref<!tpu.dma_semaphore, #tpu.memory_space<semaphore_mem>>)
    %dma_start3A_13 = tpu.memref_slice %arg3[%multiple_of3A_9] : memref<12288xf32, #tpu.memory_space<hbm>> -> memref<768xf32, #tpu.memory_space<hbm>>
    %dma_start3A_14 = tpu.memref_slice %arg3[%multiple_of3A_9] : memref<12288xf32, #tpu.memory_space<hbm>> -> memref<768xf32, #tpu.memory_space<hbm>>
    tpu.enqueue_dma source(%dma_start3A_14 : memref<768xf32, #tpu.memory_space<hbm>>) target(%arg14 : memref<768xf32, #tpu.memory_space<vmem>>) target_semaphore(%arg25 : memref<!tpu.dma_semaphore, #tpu.memory_space<semaphore_mem>>)
    tpu.enqueue_dma source(%arg4 : memref<16xf32, #tpu.memory_space<hbm>>) target(%arg24 : memref<16xf32, #tpu.memory_space<vmem>>) target_semaphore(%arg25 : memref<!tpu.dma_semaphore, #tpu.memory_space<semaphore_mem>>)
    %scan3A = arith.constant 0 : i32
    %scan3A_15 = arith.constant 0 : i32
    %scan3A_16 = arith.constant 768 : i32
    %scan3A_17 = arith.addi %scan3A_15, %scan3A_16 : i32
    %scan3A_18 = arith.constant 8 : i32
    scf.for %scan3A_101 = %scan3A_15 to %scan3A_17 step %scan3A_18  : i32 {
      %broadcast_in_dim3A_102 = arith.constant 0.000000e+00 : f32
      %broadcast_in_dim3A_103 = vector.broadcast %broadcast_in_dim3A_102 : f32 to vector<16xf32>
      %mul3A_104 = arith.constant 16 : i32
      %mul3A_105 = arith.muli %scan3A_101, %mul3A_104 : i32
      %swap3A_106 = arith.index_cast %mul3A_105 : i32 to index
      %swap3A_107 = tpu.vector_load %arg12[%swap3A_106] {strides = array<i32>} : memref<12288xf32, #tpu.memory_space<vmem>>, vector<16xf32>,
      tpu.vector_store %arg12[%swap3A_106], %broadcast_in_dim3A_103 {strides = array<i32>} : memref<12288xf32, #tpu.memory_space<vmem>>, vector<16xf32>,
      %scan3A_108 = arith.constant 1 : i32
      %scan3A_109 = arith.addi %scan3A_101, %scan3A_108 : i32
      %broadcast_in_dim3A_110 = arith.constant 0.000000e+00 : f32
      %broadcast_in_dim3A_111 = vector.broadcast %broadcast_in_dim3A_110 : f32 to vector<16xf32>
      %mul3A_112 = arith.constant 16 : i32
      %mul3A_113 = arith.muli %scan3A_109, %mul3A_112 : i32
      %swap3A_114 = arith.index_cast %mul3A_113 : i32 to index
      %swap3A_115 = tpu.vector_load %arg12[%swap3A_114] {strides = array<i32>} : memref<12288xf32, #tpu.memory_space<vmem>>, vector<16xf32>,
      tpu.vector_store %arg12[%swap3A_114], %broadcast_in_dim3A_111 {strides = array<i32>} : memref<12288xf32, #tpu.memory_space<vmem>>, vector<16xf32>,
      %scan3A_116 = arith.constant 2 : i32
      %scan3A_117 = arith.addi %scan3A_101, %scan3A_116 : i32
      %broadcast_in_dim3A_118 = arith.constant 0.000000e+00 : f32
      %broadcast_in_dim3A_119 = vector.broadcast %broadcast_in_dim3A_118 : f32 to vector<16xf32>
      %mul3A_120 = arith.constant 16 : i32
      %mul3A_121 = arith.muli %scan3A_117, %mul3A_120 : i32
      %swap3A_122 = arith.index_cast %mul3A_121 : i32 to index
      %swap3A_123 = tpu.vector_load %arg12[%swap3A_122] {strides = array<i32>} : memref<12288xf32, #tpu.memory_space<vmem>>, vector<16xf32>,
      tpu.vector_store %arg12[%swap3A_122], %broadcast_in_dim3A_119 {strides = array<i32>} : memref<12288xf32, #tpu.memory_space<vmem>>, vector<16xf32>,
      %scan3A_124 = arith.constant 3 : i32
      %scan3A_125 = arith.addi %scan3A_101, %scan3A_124 : i32
      %broadcast_in_dim3A_126 = arith.constant 0.000000e+00 : f32
      %broadcast_in_dim3A_127 = vector.broadcast %broadcast_in_dim3A_126 : f32 to vector<16xf32>
      %mul3A_128 = arith.constant 16 : i32
      %mul3A_129 = arith.muli %scan3A_125, %mul3A_128 : i32
      %swap3A_130 = arith.index_cast %mul3A_129 : i32 to index
      %swap3A_131 = tpu.vector_load %arg12[%swap3A_130] {strides = array<i32>} : memref<12288xf32, #tpu.memory_space<vmem>>, vector<16xf32>,
      tpu.vector_store %arg12[%swap3A_130], %broadcast_in_dim3A_127 {strides = array<i32>} : memref<12288xf32, #tpu.memory_space<vmem>>, vector<16xf32>,
      %scan3A_132 = arith.constant 4 : i32
      %scan3A_133 = arith.addi %scan3A_101, %scan3A_132 : i32
      %broadcast_in_dim3A_134 = arith.constant 0.000000e+00 : f32
      %broadcast_in_dim3A_135 = vector.broadcast %broadcast_in_dim3A_134 : f32 to vector<16xf32>
      %mul3A_136 = arith.constant 16 : i32
      %mul3A_137 = arith.muli %scan3A_133, %mul3A_136 : i32
      %swap3A_138 = arith.index_cast %mul3A_137 : i32 to index
      %swap3A_139 = tpu.vector_load %arg12[%swap3A_138] {strides = array<i32>} : memref<12288xf32, #tpu.memory_space<vmem>>, vector<16xf32>,
      tpu.vector_store %arg12[%swap3A_138], %broadcast_in_dim3A_135 {strides = array<i32>} : memref<12288xf32, #tpu.memory_space<vmem>>, vector<16xf32>,
      %scan3A_140 = arith.constant 5 : i32
      %scan3A_141 = arith.addi %scan3A_101, %scan3A_140 : i32
      %broadcast_in_dim3A_142 = arith.constant 0.000000e+00 : f32
      %broadcast_in_dim3A_143 = vector.broadcast %broadcast_in_dim3A_142 : f32 to vector<16xf32>
      %mul3A_144 = arith.constant 16 : i32
      %mul3A_145 = arith.muli %scan3A_141, %mul3A_144 : i32
      %swap3A_146 = arith.index_cast %mul3A_145 : i32 to index
      %swap3A_147 = tpu.vector_load %arg12[%swap3A_146] {strides = array<i32>} : memref<12288xf32, #tpu.memory_space<vmem>>, vector<16xf32>,
      tpu.vector_store %arg12[%swap3A_146], %broadcast_in_dim3A_143 {strides = array<i32>} : memref<12288xf32, #tpu.memory_space<vmem>>, vector<16xf32>,
      %scan3A_148 = arith.constant 6 : i32
      %scan3A_149 = arith.addi %scan3A_101, %scan3A_148 : i32
      %broadcast_in_dim3A_150 = arith.constant 0.000000e+00 : f32
      %broadcast_in_dim3A_151 = vector.broadcast %broadcast_in_dim3A_150 : f32 to vector<16xf32>
      %mul3A_152 = arith.constant 16 : i32
      %mul3A_153 = arith.muli %scan3A_149, %mul3A_152 : i32
      %swap3A_154 = arith.index_cast %mul3A_153 : i32 to index
      %swap3A_155 = tpu.vector_load %arg12[%swap3A_154] {strides = array<i32>} : memref<12288xf32, #tpu.memory_space<vmem>>, vector<16xf32>,
      tpu.vector_store %arg12[%swap3A_154], %broadcast_in_dim3A_151 {strides = array<i32>} : memref<12288xf32, #tpu.memory_space<vmem>>, vector<16xf32>,
      %scan3A_156 = arith.constant 7 : i32
      %scan3A_157 = arith.addi %scan3A_101, %scan3A_156 : i32
      %broadcast_in_dim3A_158 = arith.constant 0.000000e+00 : f32
      %broadcast_in_dim3A_159 = vector.broadcast %broadcast_in_dim3A_158 : f32 to vector<16xf32>
      %mul3A_160 = arith.constant 16 : i32
      %mul3A_161 = arith.muli %scan3A_157, %mul3A_160 : i32
      %swap3A_162 = arith.index_cast %mul3A_161 : i32 to index
      %swap3A_163 = tpu.vector_load %arg12[%swap3A_162] {strides = array<i32>} : memref<12288xf32, #tpu.memory_space<vmem>>, vector<16xf32>,
      tpu.vector_store %arg12[%swap3A_162], %broadcast_in_dim3A_159 {strides = array<i32>} : memref<12288xf32, #tpu.memory_space<vmem>>, vector<16xf32>,
    }
    %scan3A_19 = arith.constant 768 : i32
    %dma_wait3A = arith.constant 0 : i32
    %dma_wait3A_20 = tpu.memref_slice %arg2[%dma_wait3A, %multiple_of3A_6] : memref<2x160000xi32, #tpu.memory_space<hbm>> -> memref<2x10240xi32, #tpu.memory_space<hbm>>
    %dma_wait3A_21 = arith.constant 0 : i32
    %dma_wait3A_22 = tpu.memref_slice %arg2[%dma_wait3A_21, %multiple_of3A_6] : memref<2x160000xi32, #tpu.memory_space<hbm>> -> memref<2x10240xi32, #tpu.memory_space<hbm>>
    tpu.wait_dma2 semaphore(%arg25 : memref<!tpu.dma_semaphore, #tpu.memory_space<semaphore_mem>>) src(%dma_wait3A_22 : memref<2x10240xi32, #tpu.memory_space<hbm>>) dst(%arg11 : memref<2x10240xi32, #tpu.memory_space<vmem>>)
    %dma_wait3A_23 = tpu.memref_slice %arg3[%multiple_of3A_9] : memref<12288xf32, #tpu.memory_space<hbm>> -> memref<768xf32, #tpu.memory_space<hbm>>
    %dma_wait3A_24 = tpu.memref_slice %arg3[%multiple_of3A_9] : memref<12288xf32, #tpu.memory_space<hbm>> -> memref<768xf32, #tpu.memory_space<hbm>>
    tpu.wait_dma2 semaphore(%arg25 : memref<!tpu.dma_semaphore, #tpu.memory_space<semaphore_mem>>) src(%dma_wait3A_24 : memref<768xf32, #tpu.memory_space<hbm>>) dst(%arg14 : memref<768xf32, #tpu.memory_space<vmem>>)
    tpu.wait_dma2 semaphore(%arg25 : memref<!tpu.dma_semaphore, #tpu.memory_space<semaphore_mem>>) src(%arg4 : memref<16xf32, #tpu.memory_space<hbm>>) dst(%arg24 : memref<16xf32, #tpu.memory_space<vmem>>)
    %broadcast_in_dim3A = arith.constant 1.000000e+00 : f32
    %broadcast_in_dim3A_25 = vector.broadcast %broadcast_in_dim3A : f32 to vector<16xf32>
    %parallel_loop3A = arith.constant 0 : i32
    %parallel_loop3A_26 = arith.constant 9984 : i32
    %parallel_loop3A_27 = arith.constant 16 : i32
    scf.for %parallel_loop3A_101 = %parallel_loop3A to %parallel_loop3A_26 step %parallel_loop3A_27  : i32 {
      %parallel_loop3A_102 = arith.constant 1 : i32
      %parallel_loop3A_103 = arith.index_cast %parallel_loop3A_102 : i32 to index
      %parallel_loop3A_104 = arith.index_cast %parallel_loop3A_101 : i32 to index
      %parallel_loop3A_105 = tpu.vector_load %arg11[%parallel_loop3A_103, %parallel_loop3A_104] {strides = array<i32>} : memref<2x10240xi32, #tpu.memory_space<vmem>>, vector<16xi32>,
      tpu.vector_store_idx %arg12[%parallel_loop3A_105], %broadcast_in_dim3A_25 {add = true} : memref<12288xf32, #tpu.memory_space<vmem>>[vector<16xi32>], vector<16xf32>,
    } {sc.loop_unroll_factor = 8 : i64, sc.parallel_access}
    %eq3A = arith.constant 15 : i32
    %eq3A_28 = arith.cmpi eq, %arg1, %eq3A : i32
    %convert_element_type3A = arith.extui %eq3A_28 : i1 to i32
    %cond3A = arith.constant 0 : i32
    %cond3A_29 = arith.cmpi ne, %convert_element_type3A, %cond3A : i32
    scf.if %cond3A_29 {
      %parallel_loop3A_101 = arith.constant 9984 : i32
      %parallel_loop3A_102 = arith.constant 10240 : i32
      %parallel_loop3A_103 = arith.constant 16 : i32
      scf.for %parallel_loop3A_104 = %parallel_loop3A_101 to %parallel_loop3A_102 step %parallel_loop3A_103  : i32 {
        %parallel_loop3A_105 = arith.constant 1 : i32
        %parallel_loop3A_106 = arith.index_cast %parallel_loop3A_105 : i32 to index
        %parallel_loop3A_107 = arith.index_cast %parallel_loop3A_104 : i32 to index
        %parallel_loop3A_108 = tpu.vector_load %arg11[%parallel_loop3A_106, %parallel_loop3A_107] {strides = array<i32>} : memref<2x10240xi32, #tpu.memory_space<vmem>>, vector<16xi32>,
        tpu.vector_store_idx %arg12[%parallel_loop3A_108], %broadcast_in_dim3A_25 {add = true} : memref<12288xf32, #tpu.memory_space<vmem>>[vector<16xi32>], vector<16xf32>,
      } {sc.loop_unroll_factor = 1 : i64, sc.parallel_access}
    } else {
    }
    "tpu.region"() ({
      %run_scoped3A = tpu.sem_alloc : memref<!tpu.dma_semaphore, #tpu.memory_space<semaphore_mem>>
      %dma_start3A_101 = arith.constant 0 : i32
      %dma_start3A_102 = tpu.memref_slice %arg6[%arg0, %arg1, %dma_start3A_101] : memref<2x16x12288xf32, #tpu.memory_space<hbm>> -> memref<1x1x12288xf32, #tpu.memory_space<hbm>>
      %dma_start3A_103 = tpu.memref_squeeze %dma_start3A_102 : memref<1x1x12288xf32, #tpu.memory_space<hbm>> -> memref<12288xf32, #tpu.memory_space<hbm>>
      %dma_start3A_104 = arith.constant 0 : i32
      %dma_start3A_105 = tpu.memref_slice %arg6[%arg0, %arg1, %dma_start3A_104] : memref<2x16x12288xf32, #tpu.memory_space<hbm>> -> memref<1x1x12288xf32, #tpu.memory_space<hbm>>
      %dma_start3A_106 = tpu.memref_squeeze %dma_start3A_105 : memref<1x1x12288xf32, #tpu.memory_space<hbm>> -> memref<12288xf32, #tpu.memory_space<hbm>>
      tpu.enqueue_dma source(%arg12 : memref<12288xf32, #tpu.memory_space<vmem>>) target(%dma_start3A_106 : memref<12288xf32, #tpu.memory_space<hbm>>) target_semaphore(%run_scoped3A : memref<!tpu.dma_semaphore, #tpu.memory_space<semaphore_mem>>)
      %dma_wait3A_107 = arith.constant 0 : i32
      %dma_wait3A_108 = tpu.memref_slice %arg6[%arg0, %arg1, %dma_wait3A_107] : memref<2x16x12288xf32, #tpu.memory_space<hbm>> -> memref<1x1x12288xf32, #tpu.memory_space<hbm>>
      %dma_wait3A_109 = tpu.memref_squeeze %dma_wait3A_108 : memref<1x1x12288xf32, #tpu.memory_space<hbm>> -> memref<12288xf32, #tpu.memory_space<hbm>>
      %dma_wait3A_110 = arith.constant 0 : i32
      %dma_wait3A_111 = tpu.memref_slice %arg6[%arg0, %arg1, %dma_wait3A_110] : memref<2x16x12288xf32, #tpu.memory_space<hbm>> -> memref<1x1x12288xf32, #tpu.memory_space<hbm>>
      %dma_wait3A_112 = tpu.memref_squeeze %dma_wait3A_111 : memref<1x1x12288xf32, #tpu.memory_space<hbm>> -> memref<12288xf32, #tpu.memory_space<hbm>>
      tpu.wait_dma2 semaphore(%run_scoped3A : memref<!tpu.dma_semaphore, #tpu.memory_space<semaphore_mem>>) src(%arg12 : memref<12288xf32, #tpu.memory_space<vmem>>) dst(%dma_wait3A_112 : memref<12288xf32, #tpu.memory_space<hbm>>)
      tpu.yield
    }) : () -> ()
    %barrier3A = arith.constant 0 : index
    tpu.barrier barrier_id(%barrier3A)
    "tpu.region"() ({
      %run_scoped3A = tpu.sem_alloc : memref<!tpu.dma_semaphore, #tpu.memory_space<semaphore_mem>>
      %dma_start3A_101 = arith.constant 0 : i32
      %dma_start3A_102 = tpu.memref_slice %arg6[%arg0, %dma_start3A_101, %multiple_of3A_9] : memref<2x16x12288xf32, #tpu.memory_space<hbm>> -> memref<1x16x768xf32, #tpu.memory_space<hbm>>
      %dma_start3A_103 = tpu.memref_squeeze %dma_start3A_102 : memref<1x16x768xf32, #tpu.memory_space<hbm>> -> memref<16x768xf32, #tpu.memory_space<hbm>>
      %dma_start3A_104 = arith.constant 0 : i32
      %dma_start3A_105 = tpu.memref_slice %arg6[%arg0, %dma_start3A_104, %multiple_of3A_9] : memref<2x16x12288xf32, #tpu.memory_space<hbm>> -> memref<1x16x768xf32, #tpu.memory_space<hbm>>
      %dma_start3A_106 = tpu.memref_squeeze %dma_start3A_105 : memref<1x16x768xf32, #tpu.memory_space<hbm>> -> memref<16x768xf32, #tpu.memory_space<hbm>>
      tpu.enqueue_dma source(%dma_start3A_106 : memref<16x768xf32, #tpu.memory_space<hbm>>) target(%arg13 : memref<16x768xf32, #tpu.memory_space<vmem>>) target_semaphore(%run_scoped3A : memref<!tpu.dma_semaphore, #tpu.memory_space<semaphore_mem>>)
      %dma_wait3A_107 = arith.constant 0 : i32
      %dma_wait3A_108 = tpu.memref_slice %arg6[%arg0, %dma_wait3A_107, %multiple_of3A_9] : memref<2x16x12288xf32, #tpu.memory_space<hbm>> -> memref<1x16x768xf32, #tpu.memory_space<hbm>>
      %dma_wait3A_109 = tpu.memref_squeeze %dma_wait3A_108 : memref<1x16x768xf32, #tpu.memory_space<hbm>> -> memref<16x768xf32, #tpu.memory_space<hbm>>
      %dma_wait3A_110 = arith.constant 0 : i32
      %dma_wait3A_111 = tpu.memref_slice %arg6[%arg0, %dma_wait3A_110, %multiple_of3A_9] : memref<2x16x12288xf32, #tpu.memory_space<hbm>> -> memref<1x16x768xf32, #tpu.memory_space<hbm>>
      %dma_wait3A_112 = tpu.memref_squeeze %dma_wait3A_111 : memref<1x16x768xf32, #tpu.memory_space<hbm>> -> memref<16x768xf32, #tpu.memory_space<hbm>>
      tpu.wait_dma2 semaphore(%run_scoped3A : memref<!tpu.dma_semaphore, #tpu.memory_space<semaphore_mem>>) src(%dma_wait3A_112 : memref<16x768xf32, #tpu.memory_space<hbm>>) dst(%arg13 : memref<16x768xf32, #tpu.memory_space<vmem>>)
      tpu.yield
    }) : () -> ()
    %scan3A_30 = arith.constant 0 : i32
    %scan3A_31 = arith.constant 0 : i32
    %scan3A_32 = arith.constant 48 : i32
    %scan3A_33 = arith.addi %scan3A_31, %scan3A_32 : i32
    %scan3A_34 = arith.constant 2 : i32
    scf.for %scan3A_101 = %scan3A_31 to %scan3A_33 step %scan3A_34  : i32 {
      %mul3A_102 = arith.constant 16 : i32
      %mul3A_103 = arith.muli %scan3A_101, %mul3A_102 : i32
      %get3A = arith.constant 0 : i32
      %get3A_104 = arith.index_cast %get3A : i32 to index
      %get3A_105 = arith.index_cast %mul3A_103 : i32 to index
      %get3A_106 = tpu.vector_load %arg13[%get3A_104, %get3A_105] {strides = array<i32>} : memref<16x768xf32, #tpu.memory_space<vmem>>, vector<16xf32>,
      %mul3A_107 = arith.constant 16 : i32
      %mul3A_108 = arith.muli %scan3A_101, %mul3A_107 : i32
      %get3A_109 = arith.constant 1 : i32
      %get3A_110 = arith.index_cast %get3A_109 : i32 to index
      %get3A_111 = arith.index_cast %mul3A_108 : i32 to index
      %get3A_112 = tpu.vector_load %arg13[%get3A_110, %get3A_111] {strides = array<i32>} : memref<16x768xf32, #tpu.memory_space<vmem>>, vector<16xf32>,
      %add3A_113 = arith.addf %get3A_106, %get3A_112 : vector<16xf32>
      %mul3A_114 = arith.constant 16 : i32
      %mul3A_115 = arith.muli %scan3A_101, %mul3A_114 : i32
      %get3A_116 = arith.constant 2 : i32
      %get3A_117 = arith.index_cast %get3A_116 : i32 to index
      %get3A_118 = arith.index_cast %mul3A_115 : i32 to index
      %get3A_119 = tpu.vector_load %arg13[%get3A_117, %get3A_118] {strides = array<i32>} : memref<16x768xf32, #tpu.memory_space<vmem>>, vector<16xf32>,
      %add3A_120 = arith.addf %add3A_113, %get3A_119 : vector<16xf32>
      %mul3A_121 = arith.constant 16 : i32
      %mul3A_122 = arith.muli %scan3A_101, %mul3A_121 : i32
      %get3A_123 = arith.constant 3 : i32
      %get3A_124 = arith.index_cast %get3A_123 : i32 to index
      %get3A_125 = arith.index_cast %mul3A_122 : i32 to index
      %get3A_126 = tpu.vector_load %arg13[%get3A_124, %get3A_125] {strides = array<i32>} : memref<16x768xf32, #tpu.memory_space<vmem>>, vector<16xf32>,
      %add3A_127 = arith.addf %add3A_120, %get3A_126 : vector<16xf32>
      %mul3A_128 = arith.constant 16 : i32
      %mul3A_129 = arith.muli %scan3A_101, %mul3A_128 : i32
      %get3A_130 = arith.constant 4 : i32
      %get3A_131 = arith.index_cast %get3A_130 : i32 to index
      %get3A_132 = arith.index_cast %mul3A_129 : i32 to index
      %get3A_133 = tpu.vector_load %arg13[%get3A_131, %get3A_132] {strides = array<i32>} : memref<16x768xf32, #tpu.memory_space<vmem>>, vector<16xf32>,
      %add3A_134 = arith.addf %add3A_127, %get3A_133 : vector<16xf32>
      %mul3A_135 = arith.constant 16 : i32
      %mul3A_136 = arith.muli %scan3A_101, %mul3A_135 : i32
      %get3A_137 = arith.constant 5 : i32
      %get3A_138 = arith.index_cast %get3A_137 : i32 to index
      %get3A_139 = arith.index_cast %mul3A_136 : i32 to index
      %get3A_140 = tpu.vector_load %arg13[%get3A_138, %get3A_139] {strides = array<i32>} : memref<16x768xf32, #tpu.memory_space<vmem>>, vector<16xf32>,
      %add3A_141 = arith.addf %add3A_134, %get3A_140 : vector<16xf32>
      %mul3A_142 = arith.constant 16 : i32
      %mul3A_143 = arith.muli %scan3A_101, %mul3A_142 : i32
      %get3A_144 = arith.constant 6 : i32
      %get3A_145 = arith.index_cast %get3A_144 : i32 to index
      %get3A_146 = arith.index_cast %mul3A_143 : i32 to index
      %get3A_147 = tpu.vector_load %arg13[%get3A_145, %get3A_146] {strides = array<i32>} : memref<16x768xf32, #tpu.memory_space<vmem>>, vector<16xf32>,
      %add3A_148 = arith.addf %add3A_141, %get3A_147 : vector<16xf32>
      %mul3A_149 = arith.constant 16 : i32
      %mul3A_150 = arith.muli %scan3A_101, %mul3A_149 : i32
      %get3A_151 = arith.constant 7 : i32
      %get3A_152 = arith.index_cast %get3A_151 : i32 to index
      %get3A_153 = arith.index_cast %mul3A_150 : i32 to index
      %get3A_154 = tpu.vector_load %arg13[%get3A_152, %get3A_153] {strides = array<i32>} : memref<16x768xf32, #tpu.memory_space<vmem>>, vector<16xf32>,
      %add3A_155 = arith.addf %add3A_148, %get3A_154 : vector<16xf32>
      %mul3A_156 = arith.constant 16 : i32
      %mul3A_157 = arith.muli %scan3A_101, %mul3A_156 : i32
      %get3A_158 = arith.constant 8 : i32
      %get3A_159 = arith.index_cast %get3A_158 : i32 to index
      %get3A_160 = arith.index_cast %mul3A_157 : i32 to index
      %get3A_161 = tpu.vector_load %arg13[%get3A_159, %get3A_160] {strides = array<i32>} : memref<16x768xf32, #tpu.memory_space<vmem>>, vector<16xf32>,
      %add3A_162 = arith.addf %add3A_155, %get3A_161 : vector<16xf32>
      %mul3A_163 = arith.constant 16 : i32
      %mul3A_164 = arith.muli %scan3A_101, %mul3A_163 : i32
      %get3A_165 = arith.constant 9 : i32
      %get3A_166 = arith.index_cast %get3A_165 : i32 to index
      %get3A_167 = arith.index_cast %mul3A_164 : i32 to index
      %get3A_168 = tpu.vector_load %arg13[%get3A_166, %get3A_167] {strides = array<i32>} : memref<16x768xf32, #tpu.memory_space<vmem>>, vector<16xf32>,
      %add3A_169 = arith.addf %add3A_162, %get3A_168 : vector<16xf32>
      %mul3A_170 = arith.constant 16 : i32
      %mul3A_171 = arith.muli %scan3A_101, %mul3A_170 : i32
      %get3A_172 = arith.constant 10 : i32
      %get3A_173 = arith.index_cast %get3A_172 : i32 to index
      %get3A_174 = arith.index_cast %mul3A_171 : i32 to index
      %get3A_175 = tpu.vector_load %arg13[%get3A_173, %get3A_174] {strides = array<i32>} : memref<16x768xf32, #tpu.memory_space<vmem>>, vector<16xf32>,
      %add3A_176 = arith.addf %add3A_169, %get3A_175 : vector<16xf32>
      %mul3A_177 = arith.constant 16 : i32
      %mul3A_178 = arith.muli %scan3A_101, %mul3A_177 : i32
      %get3A_179 = arith.constant 11 : i32
      %get3A_180 = arith.index_cast %get3A_179 : i32 to index
      %get3A_181 = arith.index_cast %mul3A_178 : i32 to index
      %get3A_182 = tpu.vector_load %arg13[%get3A_180, %get3A_181] {strides = array<i32>} : memref<16x768xf32, #tpu.memory_space<vmem>>, vector<16xf32>,
      %add3A_183 = arith.addf %add3A_176, %get3A_182 : vector<16xf32>
      %mul3A_184 = arith.constant 16 : i32
      %mul3A_185 = arith.muli %scan3A_101, %mul3A_184 : i32
      %get3A_186 = arith.constant 12 : i32
      %get3A_187 = arith.index_cast %get3A_186 : i32 to index
      %get3A_188 = arith.index_cast %mul3A_185 : i32 to index
      %get3A_189 = tpu.vector_load %arg13[%get3A_187, %get3A_188] {strides = array<i32>} : memref<16x768xf32, #tpu.memory_space<vmem>>, vector<16xf32>,
      %add3A_190 = arith.addf %add3A_183, %get3A_189 : vector<16xf32>
      %mul3A_191 = arith.constant 16 : i32
      %mul3A_192 = arith.muli %scan3A_101, %mul3A_191 : i32
      %get3A_193 = arith.constant 13 : i32
      %get3A_194 = arith.index_cast %get3A_193 : i32 to index
      %get3A_195 = arith.index_cast %mul3A_192 : i32 to index
      %get3A_196 = tpu.vector_load %arg13[%get3A_194, %get3A_195] {strides = array<i32>} : memref<16x768xf32, #tpu.memory_space<vmem>>, vector<16xf32>,
      %add3A_197 = arith.addf %add3A_190, %get3A_196 : vector<16xf32>
      %mul3A_198 = arith.constant 16 : i32
      %mul3A_199 = arith.muli %scan3A_101, %mul3A_198 : i32
      %get3A_200 = arith.constant 14 : i32
      %get3A_201 = arith.index_cast %get3A_200 : i32 to index
      %get3A_202 = arith.index_cast %mul3A_199 : i32 to index
      %get3A_203 = tpu.vector_load %arg13[%get3A_201, %get3A_202] {strides = array<i32>} : memref<16x768xf32, #tpu.memory_space<vmem>>, vector<16xf32>,
      %add3A_204 = arith.addf %add3A_197, %get3A_203 : vector<16xf32>
      %mul3A_205 = arith.constant 16 : i32
      %mul3A_206 = arith.muli %scan3A_101, %mul3A_205 : i32
      %get3A_207 = arith.constant 15 : i32
      %get3A_208 = arith.index_cast %get3A_207 : i32 to index
      %get3A_209 = arith.index_cast %mul3A_206 : i32 to index
      %get3A_210 = tpu.vector_load %arg13[%get3A_208, %get3A_209] {strides = array<i32>} : memref<16x768xf32, #tpu.memory_space<vmem>>, vector<16xf32>,
      %add3A_211 = arith.addf %add3A_204, %get3A_210 : vector<16xf32>
      %add3A_212 = arith.constant 1.000000e+00 : f32
      %add3A_213 = vector.broadcast %add3A_212 : f32 to vector<16xf32>
      %add3A_214 = arith.addf %add3A_211, %add3A_213 : vector<16xf32>
      %bitcast3A = vector.bitcast %add3A_214 : vector<16xf32> to vector<16xi32>
      %shift_right_arithmetic3A = arith.constant 1 : i32
      %shift_right_arithmetic3A_215 = vector.broadcast %shift_right_arithmetic3A : i32 to vector<16xi32>
      %shift_right_arithmetic3A_216 = arith.shrsi %bitcast3A, %shift_right_arithmetic3A_215 : vector<16xi32>
      %sub3A = arith.constant 1597463007 : i32
      %sub3A_217 = vector.broadcast %sub3A : i32 to vector<16xi32>
      %sub3A_218 = arith.subi %sub3A_217, %shift_right_arithmetic3A_216 : vector<16xi32>
      %bitcast3A_219 = vector.bitcast %sub3A_218 : vector<16xi32> to vector<16xf32>
      %mul3A_220 = arith.constant 5.000000e-01 : f32
      %mul3A_221 = vector.broadcast %mul3A_220 : f32 to vector<16xf32>
      %mul3A_222 = arith.mulf %mul3A_221, %add3A_214 : vector<16xf32>
      %mul3A_223 = arith.mulf %mul3A_222, %bitcast3A_219 : vector<16xf32>
      %mul3A_224 = arith.mulf %mul3A_223, %bitcast3A_219 : vector<16xf32>
      %sub3A_225 = arith.constant 1.500000e+00 : f32
      %sub3A_226 = vector.broadcast %sub3A_225 : f32 to vector<16xf32>
      %sub3A_227 = arith.subf %sub3A_226, %mul3A_224 : vector<16xf32>
      %mul3A_228 = arith.mulf %bitcast3A_219, %sub3A_227 : vector<16xf32>
      %mul3A_229 = arith.constant 5.000000e-01 : f32
      %mul3A_230 = vector.broadcast %mul3A_229 : f32 to vector<16xf32>
      %mul3A_231 = arith.mulf %mul3A_230, %add3A_214 : vector<16xf32>
      %mul3A_232 = arith.mulf %mul3A_231, %mul3A_228 : vector<16xf32>
      %mul3A_233 = arith.mulf %mul3A_232, %mul3A_228 : vector<16xf32>
      %sub3A_234 = arith.constant 1.500000e+00 : f32
      %sub3A_235 = vector.broadcast %sub3A_234 : f32 to vector<16xf32>
      %sub3A_236 = arith.subf %sub3A_235, %mul3A_233 : vector<16xf32>
      %mul3A_237 = arith.mulf %mul3A_228, %sub3A_236 : vector<16xf32>
      %mul3A_238 = arith.constant 5.000000e-01 : f32
      %mul3A_239 = vector.broadcast %mul3A_238 : f32 to vector<16xf32>
      %mul3A_240 = arith.mulf %mul3A_239, %add3A_214 : vector<16xf32>
      %mul3A_241 = arith.mulf %mul3A_240, %mul3A_237 : vector<16xf32>
      %mul3A_242 = arith.mulf %mul3A_241, %mul3A_237 : vector<16xf32>
      %sub3A_243 = arith.constant 1.500000e+00 : f32
      %sub3A_244 = vector.broadcast %sub3A_243 : f32 to vector<16xf32>
      %sub3A_245 = arith.subf %sub3A_244, %mul3A_242 : vector<16xf32>
      %mul3A_246 = arith.mulf %mul3A_237, %sub3A_245 : vector<16xf32>
      %mul3A_247 = arith.constant 16 : i32
      %mul3A_248 = arith.muli %scan3A_101, %mul3A_247 : i32
      %get3A_249 = arith.index_cast %mul3A_248 : i32 to index
      %get3A_250 = tpu.vector_load %arg14[%get3A_249] {strides = array<i32>} : memref<768xf32, #tpu.memory_space<vmem>>, vector<16xf32>,
      %mul3A_251 = arith.mulf %mul3A_246, %get3A_250 : vector<16xf32>
      %mul3A_252 = arith.constant 16 : i32
      %mul3A_253 = arith.muli %scan3A_101, %mul3A_252 : i32
      %swap3A_254 = arith.index_cast %mul3A_253 : i32 to index
      %swap3A_255 = tpu.vector_load %arg15[%swap3A_254] {strides = array<i32>} : memref<768xf32, #tpu.memory_space<vmem>>, vector<16xf32>,
      tpu.vector_store %arg15[%swap3A_254], %mul3A_251 {strides = array<i32>} : memref<768xf32, #tpu.memory_space<vmem>>, vector<16xf32>,
      %mul3A_256 = arith.constant 16 : i32
      %mul3A_257 = arith.muli %scan3A_101, %mul3A_256 : i32
      %swap3A_258 = arith.index_cast %mul3A_257 : i32 to index
      %swap3A_259 = tpu.vector_load %arg16[%swap3A_258] {strides = array<i32>} : memref<768xf32, #tpu.memory_space<vmem>>, vector<16xf32>,
      tpu.vector_store %arg16[%swap3A_258], %mul3A_246 {strides = array<i32>} : memref<768xf32, #tpu.memory_space<vmem>>, vector<16xf32>,
      %mul3A_260 = arith.mulf %mul3A_246, %mul3A_251 : vector<16xf32>
      %get3A_261 = arith.constant 0 : index
      %get3A_262 = tpu.vector_load %arg24[%get3A_261] {strides = array<i32>} : memref<16xf32, #tpu.memory_space<vmem>>, vector<16xf32>,
      %add3A_263 = arith.addf %mul3A_260, %get3A_262 : vector<16xf32>
      %mul3A_264 = arith.constant 16 : i32
      %mul3A_265 = arith.muli %scan3A_101, %mul3A_264 : i32
      %swap3A_266 = arith.index_cast %mul3A_265 : i32 to index
      %swap3A_267 = tpu.vector_load %arg17[%swap3A_266] {strides = array<i32>} : memref<768xf32, #tpu.memory_space<vmem>>, vector<16xf32>,
      tpu.vector_store %arg17[%swap3A_266], %add3A_263 {strides = array<i32>} : memref<768xf32, #tpu.memory_space<vmem>>, vector<16xf32>,
      %scan3A_268 = arith.constant 1 : i32
      %scan3A_269 = arith.addi %scan3A_101, %scan3A_268 : i32
      %mul3A_270 = arith.constant 16 : i32
      %mul3A_271 = arith.muli %scan3A_269, %mul3A_270 : i32
      %get3A_272 = arith.constant 0 : i32
      %get3A_273 = arith.index_cast %get3A_272 : i32 to index
      %get3A_274 = arith.index_cast %mul3A_271 : i32 to index
      %get3A_275 = tpu.vector_load %arg13[%get3A_273, %get3A_274] {strides = array<i32>} : memref<16x768xf32, #tpu.memory_space<vmem>>, vector<16xf32>,
      %mul3A_276 = arith.constant 16 : i32
      %mul3A_277 = arith.muli %scan3A_269, %mul3A_276 : i32
      %get3A_278 = arith.constant 1 : i32
      %get3A_279 = arith.index_cast %get3A_278 : i32 to index
      %get3A_280 = arith.index_cast %mul3A_277 : i32 to index
      %get3A_281 = tpu.vector_load %arg13[%get3A_279, %get3A_280] {strides = array<i32>} : memref<16x768xf32, #tpu.memory_space<vmem>>, vector<16xf32>,
      %add3A_282 = arith.addf %get3A_275, %get3A_281 : vector<16xf32>
      %mul3A_283 = arith.constant 16 : i32
      %mul3A_284 = arith.muli %scan3A_269, %mul3A_283 : i32
      %get3A_285 = arith.constant 2 : i32
      %get3A_286 = arith.index_cast %get3A_285 : i32 to index
      %get3A_287 = arith.index_cast %mul3A_284 : i32 to index
      %get3A_288 = tpu.vector_load %arg13[%get3A_286, %get3A_287] {strides = array<i32>} : memref<16x768xf32, #tpu.memory_space<vmem>>, vector<16xf32>,
      %add3A_289 = arith.addf %add3A_282, %get3A_288 : vector<16xf32>
      %mul3A_290 = arith.constant 16 : i32
      %mul3A_291 = arith.muli %scan3A_269, %mul3A_290 : i32
      %get3A_292 = arith.constant 3 : i32
      %get3A_293 = arith.index_cast %get3A_292 : i32 to index
      %get3A_294 = arith.index_cast %mul3A_291 : i32 to index
      %get3A_295 = tpu.vector_load %arg13[%get3A_293, %get3A_294] {strides = array<i32>} : memref<16x768xf32, #tpu.memory_space<vmem>>, vector<16xf32>,
      %add3A_296 = arith.addf %add3A_289, %get3A_295 : vector<16xf32>
      %mul3A_297 = arith.constant 16 : i32
      %mul3A_298 = arith.muli %scan3A_269, %mul3A_297 : i32
      %get3A_299 = arith.constant 4 : i32
      %get3A_300 = arith.index_cast %get3A_299 : i32 to index
      %get3A_301 = arith.index_cast %mul3A_298 : i32 to index
      %get3A_302 = tpu.vector_load %arg13[%get3A_300, %get3A_301] {strides = array<i32>} : memref<16x768xf32, #tpu.memory_space<vmem>>, vector<16xf32>,
      %add3A_303 = arith.addf %add3A_296, %get3A_302 : vector<16xf32>
      %mul3A_304 = arith.constant 16 : i32
      %mul3A_305 = arith.muli %scan3A_269, %mul3A_304 : i32
      %get3A_306 = arith.constant 5 : i32
      %get3A_307 = arith.index_cast %get3A_306 : i32 to index
      %get3A_308 = arith.index_cast %mul3A_305 : i32 to index
      %get3A_309 = tpu.vector_load %arg13[%get3A_307, %get3A_308] {strides = array<i32>} : memref<16x768xf32, #tpu.memory_space<vmem>>, vector<16xf32>,
      %add3A_310 = arith.addf %add3A_303, %get3A_309 : vector<16xf32>
      %mul3A_311 = arith.constant 16 : i32
      %mul3A_312 = arith.muli %scan3A_269, %mul3A_311 : i32
      %get3A_313 = arith.constant 6 : i32
      %get3A_314 = arith.index_cast %get3A_313 : i32 to index
      %get3A_315 = arith.index_cast %mul3A_312 : i32 to index
      %get3A_316 = tpu.vector_load %arg13[%get3A_314, %get3A_315] {strides = array<i32>} : memref<16x768xf32, #tpu.memory_space<vmem>>, vector<16xf32>,
      %add3A_317 = arith.addf %add3A_310, %get3A_316 : vector<16xf32>
      %mul3A_318 = arith.constant 16 : i32
      %mul3A_319 = arith.muli %scan3A_269, %mul3A_318 : i32
      %get3A_320 = arith.constant 7 : i32
      %get3A_321 = arith.index_cast %get3A_320 : i32 to index
      %get3A_322 = arith.index_cast %mul3A_319 : i32 to index
      %get3A_323 = tpu.vector_load %arg13[%get3A_321, %get3A_322] {strides = array<i32>} : memref<16x768xf32, #tpu.memory_space<vmem>>, vector<16xf32>,
      %add3A_324 = arith.addf %add3A_317, %get3A_323 : vector<16xf32>
      %mul3A_325 = arith.constant 16 : i32
      %mul3A_326 = arith.muli %scan3A_269, %mul3A_325 : i32
      %get3A_327 = arith.constant 8 : i32
      %get3A_328 = arith.index_cast %get3A_327 : i32 to index
      %get3A_329 = arith.index_cast %mul3A_326 : i32 to index
      %get3A_330 = tpu.vector_load %arg13[%get3A_328, %get3A_329] {strides = array<i32>} : memref<16x768xf32, #tpu.memory_space<vmem>>, vector<16xf32>,
      %add3A_331 = arith.addf %add3A_324, %get3A_330 : vector<16xf32>
      %mul3A_332 = arith.constant 16 : i32
      %mul3A_333 = arith.muli %scan3A_269, %mul3A_332 : i32
      %get3A_334 = arith.constant 9 : i32
      %get3A_335 = arith.index_cast %get3A_334 : i32 to index
      %get3A_336 = arith.index_cast %mul3A_333 : i32 to index
      %get3A_337 = tpu.vector_load %arg13[%get3A_335, %get3A_336] {strides = array<i32>} : memref<16x768xf32, #tpu.memory_space<vmem>>, vector<16xf32>,
      %add3A_338 = arith.addf %add3A_331, %get3A_337 : vector<16xf32>
      %mul3A_339 = arith.constant 16 : i32
      %mul3A_340 = arith.muli %scan3A_269, %mul3A_339 : i32
      %get3A_341 = arith.constant 10 : i32
      %get3A_342 = arith.index_cast %get3A_341 : i32 to index
      %get3A_343 = arith.index_cast %mul3A_340 : i32 to index
      %get3A_344 = tpu.vector_load %arg13[%get3A_342, %get3A_343] {strides = array<i32>} : memref<16x768xf32, #tpu.memory_space<vmem>>, vector<16xf32>,
      %add3A_345 = arith.addf %add3A_338, %get3A_344 : vector<16xf32>
      %mul3A_346 = arith.constant 16 : i32
      %mul3A_347 = arith.muli %scan3A_269, %mul3A_346 : i32
      %get3A_348 = arith.constant 11 : i32
      %get3A_349 = arith.index_cast %get3A_348 : i32 to index
      %get3A_350 = arith.index_cast %mul3A_347 : i32 to index
      %get3A_351 = tpu.vector_load %arg13[%get3A_349, %get3A_350] {strides = array<i32>} : memref<16x768xf32, #tpu.memory_space<vmem>>, vector<16xf32>,
      %add3A_352 = arith.addf %add3A_345, %get3A_351 : vector<16xf32>
      %mul3A_353 = arith.constant 16 : i32
      %mul3A_354 = arith.muli %scan3A_269, %mul3A_353 : i32
      %get3A_355 = arith.constant 12 : i32
      %get3A_356 = arith.index_cast %get3A_355 : i32 to index
      %get3A_357 = arith.index_cast %mul3A_354 : i32 to index
      %get3A_358 = tpu.vector_load %arg13[%get3A_356, %get3A_357] {strides = array<i32>} : memref<16x768xf32, #tpu.memory_space<vmem>>, vector<16xf32>,
      %add3A_359 = arith.addf %add3A_352, %get3A_358 : vector<16xf32>
      %mul3A_360 = arith.constant 16 : i32
      %mul3A_361 = arith.muli %scan3A_269, %mul3A_360 : i32
      %get3A_362 = arith.constant 13 : i32
      %get3A_363 = arith.index_cast %get3A_362 : i32 to index
      %get3A_364 = arith.index_cast %mul3A_361 : i32 to index
      %get3A_365 = tpu.vector_load %arg13[%get3A_363, %get3A_364] {strides = array<i32>} : memref<16x768xf32, #tpu.memory_space<vmem>>, vector<16xf32>,
      %add3A_366 = arith.addf %add3A_359, %get3A_365 : vector<16xf32>
      %mul3A_367 = arith.constant 16 : i32
      %mul3A_368 = arith.muli %scan3A_269, %mul3A_367 : i32
      %get3A_369 = arith.constant 14 : i32
      %get3A_370 = arith.index_cast %get3A_369 : i32 to index
      %get3A_371 = arith.index_cast %mul3A_368 : i32 to index
      %get3A_372 = tpu.vector_load %arg13[%get3A_370, %get3A_371] {strides = array<i32>} : memref<16x768xf32, #tpu.memory_space<vmem>>, vector<16xf32>,
      %add3A_373 = arith.addf %add3A_366, %get3A_372 : vector<16xf32>
      %mul3A_374 = arith.constant 16 : i32
      %mul3A_375 = arith.muli %scan3A_269, %mul3A_374 : i32
      %get3A_376 = arith.constant 15 : i32
      %get3A_377 = arith.index_cast %get3A_376 : i32 to index
      %get3A_378 = arith.index_cast %mul3A_375 : i32 to index
      %get3A_379 = tpu.vector_load %arg13[%get3A_377, %get3A_378] {strides = array<i32>} : memref<16x768xf32, #tpu.memory_space<vmem>>, vector<16xf32>,
      %add3A_380 = arith.addf %add3A_373, %get3A_379 : vector<16xf32>
      %add3A_381 = arith.constant 1.000000e+00 : f32
      %add3A_382 = vector.broadcast %add3A_381 : f32 to vector<16xf32>
      %add3A_383 = arith.addf %add3A_380, %add3A_382 : vector<16xf32>
      %bitcast3A_384 = vector.bitcast %add3A_383 : vector<16xf32> to vector<16xi32>
      %shift_right_arithmetic3A_385 = arith.constant 1 : i32
      %shift_right_arithmetic3A_386 = vector.broadcast %shift_right_arithmetic3A_385 : i32 to vector<16xi32>
      %shift_right_arithmetic3A_387 = arith.shrsi %bitcast3A_384, %shift_right_arithmetic3A_386 : vector<16xi32>
      %sub3A_388 = arith.constant 1597463007 : i32
      %sub3A_389 = vector.broadcast %sub3A_388 : i32 to vector<16xi32>
      %sub3A_390 = arith.subi %sub3A_389, %shift_right_arithmetic3A_387 : vector<16xi32>
      %bitcast3A_391 = vector.bitcast %sub3A_390 : vector<16xi32> to vector<16xf32>
      %mul3A_392 = arith.constant 5.000000e-01 : f32
      %mul3A_393 = vector.broadcast %mul3A_392 : f32 to vector<16xf32>
      %mul3A_394 = arith.mulf %mul3A_393, %add3A_383 : vector<16xf32>
      %mul3A_395 = arith.mulf %mul3A_394, %bitcast3A_391 : vector<16xf32>
      %mul3A_396 = arith.mulf %mul3A_395, %bitcast3A_391 : vector<16xf32>
      %sub3A_397 = arith.constant 1.500000e+00 : f32
      %sub3A_398 = vector.broadcast %sub3A_397 : f32 to vector<16xf32>
      %sub3A_399 = arith.subf %sub3A_398, %mul3A_396 : vector<16xf32>
      %mul3A_400 = arith.mulf %bitcast3A_391, %sub3A_399 : vector<16xf32>
      %mul3A_401 = arith.constant 5.000000e-01 : f32
      %mul3A_402 = vector.broadcast %mul3A_401 : f32 to vector<16xf32>
      %mul3A_403 = arith.mulf %mul3A_402, %add3A_383 : vector<16xf32>
      %mul3A_404 = arith.mulf %mul3A_403, %mul3A_400 : vector<16xf32>
      %mul3A_405 = arith.mulf %mul3A_404, %mul3A_400 : vector<16xf32>
      %sub3A_406 = arith.constant 1.500000e+00 : f32
      %sub3A_407 = vector.broadcast %sub3A_406 : f32 to vector<16xf32>
      %sub3A_408 = arith.subf %sub3A_407, %mul3A_405 : vector<16xf32>
      %mul3A_409 = arith.mulf %mul3A_400, %sub3A_408 : vector<16xf32>
      %mul3A_410 = arith.constant 5.000000e-01 : f32
      %mul3A_411 = vector.broadcast %mul3A_410 : f32 to vector<16xf32>
      %mul3A_412 = arith.mulf %mul3A_411, %add3A_383 : vector<16xf32>
      %mul3A_413 = arith.mulf %mul3A_412, %mul3A_409 : vector<16xf32>
      %mul3A_414 = arith.mulf %mul3A_413, %mul3A_409 : vector<16xf32>
      %sub3A_415 = arith.constant 1.500000e+00 : f32
      %sub3A_416 = vector.broadcast %sub3A_415 : f32 to vector<16xf32>
      %sub3A_417 = arith.subf %sub3A_416, %mul3A_414 : vector<16xf32>
      %mul3A_418 = arith.mulf %mul3A_409, %sub3A_417 : vector<16xf32>
      %mul3A_419 = arith.constant 16 : i32
      %mul3A_420 = arith.muli %scan3A_269, %mul3A_419 : i32
      %get3A_421 = arith.index_cast %mul3A_420 : i32 to index
      %get3A_422 = tpu.vector_load %arg14[%get3A_421] {strides = array<i32>} : memref<768xf32, #tpu.memory_space<vmem>>, vector<16xf32>,
      %mul3A_423 = arith.mulf %mul3A_418, %get3A_422 : vector<16xf32>
      %mul3A_424 = arith.constant 16 : i32
      %mul3A_425 = arith.muli %scan3A_269, %mul3A_424 : i32
      %swap3A_426 = arith.index_cast %mul3A_425 : i32 to index
      %swap3A_427 = tpu.vector_load %arg15[%swap3A_426] {strides = array<i32>} : memref<768xf32, #tpu.memory_space<vmem>>, vector<16xf32>,
      tpu.vector_store %arg15[%swap3A_426], %mul3A_423 {strides = array<i32>} : memref<768xf32, #tpu.memory_space<vmem>>, vector<16xf32>,
      %mul3A_428 = arith.constant 16 : i32
      %mul3A_429 = arith.muli %scan3A_269, %mul3A_428 : i32
      %swap3A_430 = arith.index_cast %mul3A_429 : i32 to index
      %swap3A_431 = tpu.vector_load %arg16[%swap3A_430] {strides = array<i32>} : memref<768xf32, #tpu.memory_space<vmem>>, vector<16xf32>,
      tpu.vector_store %arg16[%swap3A_430], %mul3A_418 {strides = array<i32>} : memref<768xf32, #tpu.memory_space<vmem>>, vector<16xf32>,
      %mul3A_432 = arith.mulf %mul3A_418, %mul3A_423 : vector<16xf32>
      %get3A_433 = arith.constant 0 : index
      %get3A_434 = tpu.vector_load %arg24[%get3A_433] {strides = array<i32>} : memref<16xf32, #tpu.memory_space<vmem>>, vector<16xf32>,
      %add3A_435 = arith.addf %mul3A_432, %get3A_434 : vector<16xf32>
      %mul3A_436 = arith.constant 16 : i32
      %mul3A_437 = arith.muli %scan3A_269, %mul3A_436 : i32
      %swap3A_438 = arith.index_cast %mul3A_437 : i32 to index
      %swap3A_439 = tpu.vector_load %arg17[%swap3A_438] {strides = array<i32>} : memref<768xf32, #tpu.memory_space<vmem>>, vector<16xf32>,
      tpu.vector_store %arg17[%swap3A_438], %add3A_435 {strides = array<i32>} : memref<768xf32, #tpu.memory_space<vmem>>, vector<16xf32>,
    }
    %scan3A_35 = arith.constant 48 : i32
    %dma_start3A_36 = tpu.memref_slice %arg7[%multiple_of3A_9] : memref<12288xf32, #tpu.memory_space<hbm>> -> memref<768xf32, #tpu.memory_space<hbm>>
    %dma_start3A_37 = tpu.memref_slice %arg7[%multiple_of3A_9] : memref<12288xf32, #tpu.memory_space<hbm>> -> memref<768xf32, #tpu.memory_space<hbm>>
    tpu.enqueue_dma source(%arg15 : memref<768xf32, #tpu.memory_space<vmem>>) target(%dma_start3A_37 : memref<768xf32, #tpu.memory_space<hbm>>) target_semaphore(%arg25 : memref<!tpu.dma_semaphore, #tpu.memory_space<semaphore_mem>>)
    %dma_start3A_38 = tpu.memref_slice %arg8[%multiple_of3A_9] : memref<12288xf32, #tpu.memory_space<hbm>> -> memref<768xf32, #tpu.memory_space<hbm>>
    %dma_start3A_39 = tpu.memref_slice %arg8[%multiple_of3A_9] : memref<12288xf32, #tpu.memory_space<hbm>> -> memref<768xf32, #tpu.memory_space<hbm>>
    tpu.enqueue_dma source(%arg16 : memref<768xf32, #tpu.memory_space<vmem>>) target(%dma_start3A_39 : memref<768xf32, #tpu.memory_space<hbm>>) target_semaphore(%arg25 : memref<!tpu.dma_semaphore, #tpu.memory_space<semaphore_mem>>)
    %dma_start3A_40 = tpu.memref_slice %arg9[%multiple_of3A_9] : memref<12288xf32, #tpu.memory_space<hbm>> -> memref<768xf32, #tpu.memory_space<hbm>>
    %dma_start3A_41 = tpu.memref_slice %arg9[%multiple_of3A_9] : memref<12288xf32, #tpu.memory_space<hbm>> -> memref<768xf32, #tpu.memory_space<hbm>>
    tpu.enqueue_dma source(%arg17 : memref<768xf32, #tpu.memory_space<vmem>>) target(%dma_start3A_41 : memref<768xf32, #tpu.memory_space<hbm>>) target_semaphore(%arg25 : memref<!tpu.dma_semaphore, #tpu.memory_space<semaphore_mem>>)
    %scan3A_42 = arith.constant 0 : i32
    %scan3A_43 = arith.constant 0 : i32
    %scan3A_44 = arith.constant 384 : i32
    %scan3A_45 = arith.addi %scan3A_43, %scan3A_44 : i32
    %scan3A_46 = arith.constant 8 : i32
    scf.for %scan3A_101 = %scan3A_43 to %scan3A_45 step %scan3A_46  : i32 {
      %broadcast_in_dim3A_102 = arith.constant 0.000000e+00 : f32
      %broadcast_in_dim3A_103 = vector.broadcast %broadcast_in_dim3A_102 : f32 to vector<16xf32>
      %mul3A_104 = arith.constant 16 : i32
      %mul3A_105 = arith.muli %scan3A_101, %mul3A_104 : i32
      %swap3A_106 = arith.index_cast %mul3A_105 : i32 to index
      %swap3A_107 = tpu.vector_load %arg19[%swap3A_106] {strides = array<i32>} : memref<6160xf32, #tpu.memory_space<vmem>>, vector<16xf32>,
      tpu.vector_store %arg19[%swap3A_106], %broadcast_in_dim3A_103 {strides = array<i32>} : memref<6160xf32, #tpu.memory_space<vmem>>, vector<16xf32>,
      %scan3A_108 = arith.constant 1 : i32
      %scan3A_109 = arith.addi %scan3A_101, %scan3A_108 : i32
      %broadcast_in_dim3A_110 = arith.constant 0.000000e+00 : f32
      %broadcast_in_dim3A_111 = vector.broadcast %broadcast_in_dim3A_110 : f32 to vector<16xf32>
      %mul3A_112 = arith.constant 16 : i32
      %mul3A_113 = arith.muli %scan3A_109, %mul3A_112 : i32
      %swap3A_114 = arith.index_cast %mul3A_113 : i32 to index
      %swap3A_115 = tpu.vector_load %arg19[%swap3A_114] {strides = array<i32>} : memref<6160xf32, #tpu.memory_space<vmem>>, vector<16xf32>,
      tpu.vector_store %arg19[%swap3A_114], %broadcast_in_dim3A_111 {strides = array<i32>} : memref<6160xf32, #tpu.memory_space<vmem>>, vector<16xf32>,
      %scan3A_116 = arith.constant 2 : i32
      %scan3A_117 = arith.addi %scan3A_101, %scan3A_116 : i32
      %broadcast_in_dim3A_118 = arith.constant 0.000000e+00 : f32
      %broadcast_in_dim3A_119 = vector.broadcast %broadcast_in_dim3A_118 : f32 to vector<16xf32>
      %mul3A_120 = arith.constant 16 : i32
      %mul3A_121 = arith.muli %scan3A_117, %mul3A_120 : i32
      %swap3A_122 = arith.index_cast %mul3A_121 : i32 to index
      %swap3A_123 = tpu.vector_load %arg19[%swap3A_122] {strides = array<i32>} : memref<6160xf32, #tpu.memory_space<vmem>>, vector<16xf32>,
      tpu.vector_store %arg19[%swap3A_122], %broadcast_in_dim3A_119 {strides = array<i32>} : memref<6160xf32, #tpu.memory_space<vmem>>, vector<16xf32>,
      %scan3A_124 = arith.constant 3 : i32
      %scan3A_125 = arith.addi %scan3A_101, %scan3A_124 : i32
      %broadcast_in_dim3A_126 = arith.constant 0.000000e+00 : f32
      %broadcast_in_dim3A_127 = vector.broadcast %broadcast_in_dim3A_126 : f32 to vector<16xf32>
      %mul3A_128 = arith.constant 16 : i32
      %mul3A_129 = arith.muli %scan3A_125, %mul3A_128 : i32
      %swap3A_130 = arith.index_cast %mul3A_129 : i32 to index
      %swap3A_131 = tpu.vector_load %arg19[%swap3A_130] {strides = array<i32>} : memref<6160xf32, #tpu.memory_space<vmem>>, vector<16xf32>,
      tpu.vector_store %arg19[%swap3A_130], %broadcast_in_dim3A_127 {strides = array<i32>} : memref<6160xf32, #tpu.memory_space<vmem>>, vector<16xf32>,
      %scan3A_132 = arith.constant 4 : i32
      %scan3A_133 = arith.addi %scan3A_101, %scan3A_132 : i32
      %broadcast_in_dim3A_134 = arith.constant 0.000000e+00 : f32
      %broadcast_in_dim3A_135 = vector.broadcast %broadcast_in_dim3A_134 : f32 to vector<16xf32>
      %mul3A_136 = arith.constant 16 : i32
      %mul3A_137 = arith.muli %scan3A_133, %mul3A_136 : i32
      %swap3A_138 = arith.index_cast %mul3A_137 : i32 to index
      %swap3A_139 = tpu.vector_load %arg19[%swap3A_138] {strides = array<i32>} : memref<6160xf32, #tpu.memory_space<vmem>>, vector<16xf32>,
      tpu.vector_store %arg19[%swap3A_138], %broadcast_in_dim3A_135 {strides = array<i32>} : memref<6160xf32, #tpu.memory_space<vmem>>, vector<16xf32>,
      %scan3A_140 = arith.constant 5 : i32
      %scan3A_141 = arith.addi %scan3A_101, %scan3A_140 : i32
      %broadcast_in_dim3A_142 = arith.constant 0.000000e+00 : f32
      %broadcast_in_dim3A_143 = vector.broadcast %broadcast_in_dim3A_142 : f32 to vector<16xf32>
      %mul3A_144 = arith.constant 16 : i32
      %mul3A_145 = arith.muli %scan3A_141, %mul3A_144 : i32
      %swap3A_146 = arith.index_cast %mul3A_145 : i32 to index
      %swap3A_147 = tpu.vector_load %arg19[%swap3A_146] {strides = array<i32>} : memref<6160xf32, #tpu.memory_space<vmem>>, vector<16xf32>,
      tpu.vector_store %arg19[%swap3A_146], %broadcast_in_dim3A_143 {strides = array<i32>} : memref<6160xf32, #tpu.memory_space<vmem>>, vector<16xf32>,
      %scan3A_148 = arith.constant 6 : i32
      %scan3A_149 = arith.addi %scan3A_101, %scan3A_148 : i32
      %broadcast_in_dim3A_150 = arith.constant 0.000000e+00 : f32
      %broadcast_in_dim3A_151 = vector.broadcast %broadcast_in_dim3A_150 : f32 to vector<16xf32>
      %mul3A_152 = arith.constant 16 : i32
      %mul3A_153 = arith.muli %scan3A_149, %mul3A_152 : i32
      %swap3A_154 = arith.index_cast %mul3A_153 : i32 to index
      %swap3A_155 = tpu.vector_load %arg19[%swap3A_154] {strides = array<i32>} : memref<6160xf32, #tpu.memory_space<vmem>>, vector<16xf32>,
      tpu.vector_store %arg19[%swap3A_154], %broadcast_in_dim3A_151 {strides = array<i32>} : memref<6160xf32, #tpu.memory_space<vmem>>, vector<16xf32>,
      %scan3A_156 = arith.constant 7 : i32
      %scan3A_157 = arith.addi %scan3A_101, %scan3A_156 : i32
      %broadcast_in_dim3A_158 = arith.constant 0.000000e+00 : f32
      %broadcast_in_dim3A_159 = vector.broadcast %broadcast_in_dim3A_158 : f32 to vector<16xf32>
      %mul3A_160 = arith.constant 16 : i32
      %mul3A_161 = arith.muli %scan3A_157, %mul3A_160 : i32
      %swap3A_162 = arith.index_cast %mul3A_161 : i32 to index
      %swap3A_163 = tpu.vector_load %arg19[%swap3A_162] {strides = array<i32>} : memref<6160xf32, #tpu.memory_space<vmem>>, vector<16xf32>,
      tpu.vector_store %arg19[%swap3A_162], %broadcast_in_dim3A_159 {strides = array<i32>} : memref<6160xf32, #tpu.memory_space<vmem>>, vector<16xf32>,
    }
    %scan3A_47 = arith.constant 384 : i32
    %scan3A_48 = arith.addi %scan3A_43, %scan3A_47 : i32
    %broadcast_in_dim3A_49 = arith.constant 0.000000e+00 : f32
    %broadcast_in_dim3A_50 = vector.broadcast %broadcast_in_dim3A_49 : f32 to vector<16xf32>
    %mul3A_51 = arith.constant 16 : i32
    %mul3A_52 = arith.muli %scan3A_48, %mul3A_51 : i32
    %swap3A = arith.index_cast %mul3A_52 : i32 to index
    %swap3A_53 = tpu.vector_load %arg19[%swap3A] {strides = array<i32>} : memref<6160xf32, #tpu.memory_space<vmem>>, vector<16xf32>,
    tpu.vector_store %arg19[%swap3A], %broadcast_in_dim3A_50 {strides = array<i32>} : memref<6160xf32, #tpu.memory_space<vmem>>, vector<16xf32>,
    %scan3A_54 = arith.constant 385 : i32
    %dma_wait3A_55 = tpu.memref_slice %arg7[%multiple_of3A_9] : memref<12288xf32, #tpu.memory_space<hbm>> -> memref<768xf32, #tpu.memory_space<hbm>>
    %dma_wait3A_56 = tpu.memref_slice %arg7[%multiple_of3A_9] : memref<12288xf32, #tpu.memory_space<hbm>> -> memref<768xf32, #tpu.memory_space<hbm>>
    tpu.wait_dma2 semaphore(%arg25 : memref<!tpu.dma_semaphore, #tpu.memory_space<semaphore_mem>>) src(%arg15 : memref<768xf32, #tpu.memory_space<vmem>>) dst(%dma_wait3A_56 : memref<768xf32, #tpu.memory_space<hbm>>)
    %dma_wait3A_57 = tpu.memref_slice %arg8[%multiple_of3A_9] : memref<12288xf32, #tpu.memory_space<hbm>> -> memref<768xf32, #tpu.memory_space<hbm>>
    %dma_wait3A_58 = tpu.memref_slice %arg8[%multiple_of3A_9] : memref<12288xf32, #tpu.memory_space<hbm>> -> memref<768xf32, #tpu.memory_space<hbm>>
    tpu.wait_dma2 semaphore(%arg25 : memref<!tpu.dma_semaphore, #tpu.memory_space<semaphore_mem>>) src(%arg16 : memref<768xf32, #tpu.memory_space<vmem>>) dst(%dma_wait3A_58 : memref<768xf32, #tpu.memory_space<hbm>>)
    %dma_wait3A_59 = tpu.memref_slice %arg9[%multiple_of3A_9] : memref<12288xf32, #tpu.memory_space<hbm>> -> memref<768xf32, #tpu.memory_space<hbm>>
    %dma_wait3A_60 = tpu.memref_slice %arg9[%multiple_of3A_9] : memref<12288xf32, #tpu.memory_space<hbm>> -> memref<768xf32, #tpu.memory_space<hbm>>
    tpu.wait_dma2 semaphore(%arg25 : memref<!tpu.dma_semaphore, #tpu.memory_space<semaphore_mem>>) src(%arg17 : memref<768xf32, #tpu.memory_space<vmem>>) dst(%dma_wait3A_60 : memref<768xf32, #tpu.memory_space<hbm>>)
    %barrier3A_61 = arith.constant 0 : index
    tpu.barrier barrier_id(%barrier3A_61)
    tpu.enqueue_dma source(%arg7 : memref<12288xf32, #tpu.memory_space<hbm>>) target(%arg18 : memref<12288xf32, #tpu.memory_space<vmem>>) target_semaphore(%arg25 : memref<!tpu.dma_semaphore, #tpu.memory_space<semaphore_mem>>)
    %dma_start3A_62 = tpu.memref_slice %arg8[%multiple_of3A_3] : memref<12288xf32, #tpu.memory_space<hbm>> -> memref<384xf32, #tpu.memory_space<hbm>>
    %dma_start3A_63 = tpu.memref_slice %arg8[%multiple_of3A_3] : memref<12288xf32, #tpu.memory_space<hbm>> -> memref<384xf32, #tpu.memory_space<hbm>>
    tpu.enqueue_dma source(%dma_start3A_63 : memref<384xf32, #tpu.memory_space<hbm>>) target(%arg21 : memref<384xf32, #tpu.memory_space<vmem>>) target_semaphore(%arg25 : memref<!tpu.dma_semaphore, #tpu.memory_space<semaphore_mem>>)
    %dma_start3A_64 = tpu.memref_slice %arg9[%multiple_of3A_3] : memref<12288xf32, #tpu.memory_space<hbm>> -> memref<384xf32, #tpu.memory_space<hbm>>
    %dma_start3A_65 = tpu.memref_slice %arg9[%multiple_of3A_3] : memref<12288xf32, #tpu.memory_space<hbm>> -> memref<384xf32, #tpu.memory_space<hbm>>
    tpu.enqueue_dma source(%dma_start3A_65 : memref<384xf32, #tpu.memory_space<hbm>>) target(%arg22 : memref<384xf32, #tpu.memory_space<vmem>>) target_semaphore(%arg25 : memref<!tpu.dma_semaphore, #tpu.memory_space<semaphore_mem>>)
    tpu.wait_dma2 semaphore(%arg25 : memref<!tpu.dma_semaphore, #tpu.memory_space<semaphore_mem>>) src(%arg7 : memref<12288xf32, #tpu.memory_space<hbm>>) dst(%arg18 : memref<12288xf32, #tpu.memory_space<vmem>>)
    %dma_wait3A_66 = tpu.memref_slice %arg8[%multiple_of3A_3] : memref<12288xf32, #tpu.memory_space<hbm>> -> memref<384xf32, #tpu.memory_space<hbm>>
    %dma_wait3A_67 = tpu.memref_slice %arg8[%multiple_of3A_3] : memref<12288xf32, #tpu.memory_space<hbm>> -> memref<384xf32, #tpu.memory_space<hbm>>
    tpu.wait_dma2 semaphore(%arg25 : memref<!tpu.dma_semaphore, #tpu.memory_space<semaphore_mem>>) src(%dma_wait3A_67 : memref<384xf32, #tpu.memory_space<hbm>>) dst(%arg21 : memref<384xf32, #tpu.memory_space<vmem>>)
    %dma_wait3A_68 = tpu.memref_slice %arg9[%multiple_of3A_3] : memref<12288xf32, #tpu.memory_space<hbm>> -> memref<384xf32, #tpu.memory_space<hbm>>
    %dma_wait3A_69 = tpu.memref_slice %arg9[%multiple_of3A_3] : memref<12288xf32, #tpu.memory_space<hbm>> -> memref<384xf32, #tpu.memory_space<hbm>>
    tpu.wait_dma2 semaphore(%arg25 : memref<!tpu.dma_semaphore, #tpu.memory_space<semaphore_mem>>) src(%dma_wait3A_69 : memref<384xf32, #tpu.memory_space<hbm>>) dst(%arg22 : memref<384xf32, #tpu.memory_space<vmem>>)
    %parallel_loop3A_70 = arith.constant 0 : i32
    %parallel_loop3A_71 = arith.constant 9984 : i32
    %parallel_loop3A_72 = arith.constant 16 : i32
    scf.for %parallel_loop3A_101 = %parallel_loop3A_70 to %parallel_loop3A_71 step %parallel_loop3A_72  : i32 {
      %parallel_loop3A_102 = arith.constant 0 : i32
      %parallel_loop3A_103 = arith.index_cast %parallel_loop3A_102 : i32 to index
      %parallel_loop3A_104 = arith.index_cast %parallel_loop3A_101 : i32 to index
      %parallel_loop3A_105 = tpu.vector_load %arg11[%parallel_loop3A_103, %parallel_loop3A_104] {strides = array<i32>} : memref<2x10240xi32, #tpu.memory_space<vmem>>, vector<16xi32>,
      %parallel_loop3A_106 = arith.constant 1 : i32
      %parallel_loop3A_107 = arith.index_cast %parallel_loop3A_106 : i32 to index
      %parallel_loop3A_108 = arith.index_cast %parallel_loop3A_101 : i32 to index
      %parallel_loop3A_109 = tpu.vector_load %arg11[%parallel_loop3A_107, %parallel_loop3A_108] {strides = array<i32>} : memref<2x10240xi32, #tpu.memory_space<vmem>>, vector<16xi32>,
      %parallel_loop3A_110 = tpu.vector_load_idx %arg18[%parallel_loop3A_105] : memref<12288xf32, #tpu.memory_space<vmem>>[vector<16xi32>], vector<16xf32>,
      %parallel_loop3A_111 = vector.broadcast %multiple_of3A : i32 to vector<16xi32>
      %parallel_loop3A_112 = arith.subi %parallel_loop3A_109, %parallel_loop3A_111 : vector<16xi32>
      %parallel_loop3A_113 = arith.constant 0 : i32
      %parallel_loop3A_114 = vector.broadcast %parallel_loop3A_113 : i32 to vector<16xi32>
      %parallel_loop3A_115 = arith.cmpi sge, %parallel_loop3A_112, %parallel_loop3A_114 : vector<16xi32>
      %parallel_loop3A_116 = arith.constant 6144 : i32
      %parallel_loop3A_117 = vector.broadcast %parallel_loop3A_116 : i32 to vector<16xi32>
      %parallel_loop3A_118 = arith.cmpi slt, %parallel_loop3A_112, %parallel_loop3A_117 : vector<16xi32>
      %parallel_loop3A_119 = arith.andi %parallel_loop3A_115, %parallel_loop3A_118 : vector<16xi1>
      %parallel_loop3A_120 = arith.constant 6144 : i32
      %parallel_loop3A_121 = vector.broadcast %parallel_loop3A_120 : i32 to vector<16xi32>
      %parallel_loop3A_122 = arith.select %parallel_loop3A_119, %parallel_loop3A_112, %parallel_loop3A_121 : vector<16xi1>, vector<16xi32>
      tpu.vector_store_idx %arg19[%parallel_loop3A_122], %parallel_loop3A_110 {add = true} : memref<6160xf32, #tpu.memory_space<vmem>>[vector<16xi32>], vector<16xf32>,
    } {sc.loop_unroll_factor = 8 : i64, sc.parallel_access}
    %eq3A_73 = arith.constant 15 : i32
    %eq3A_74 = arith.cmpi eq, %arg1, %eq3A_73 : i32
    %convert_element_type3A_75 = arith.extui %eq3A_74 : i1 to i32
    %cond3A_76 = arith.constant 0 : i32
    %cond3A_77 = arith.cmpi ne, %convert_element_type3A_75, %cond3A_76 : i32
    scf.if %cond3A_77 {
      %parallel_loop3A_101 = arith.constant 9984 : i32
      %parallel_loop3A_102 = arith.constant 10240 : i32
      %parallel_loop3A_103 = arith.constant 16 : i32
      scf.for %parallel_loop3A_104 = %parallel_loop3A_101 to %parallel_loop3A_102 step %parallel_loop3A_103  : i32 {
        %parallel_loop3A_105 = arith.constant 0 : i32
        %parallel_loop3A_106 = arith.index_cast %parallel_loop3A_105 : i32 to index
        %parallel_loop3A_107 = arith.index_cast %parallel_loop3A_104 : i32 to index
        %parallel_loop3A_108 = tpu.vector_load %arg11[%parallel_loop3A_106, %parallel_loop3A_107] {strides = array<i32>} : memref<2x10240xi32, #tpu.memory_space<vmem>>, vector<16xi32>,
        %parallel_loop3A_109 = arith.constant 1 : i32
        %parallel_loop3A_110 = arith.index_cast %parallel_loop3A_109 : i32 to index
        %parallel_loop3A_111 = arith.index_cast %parallel_loop3A_104 : i32 to index
        %parallel_loop3A_112 = tpu.vector_load %arg11[%parallel_loop3A_110, %parallel_loop3A_111] {strides = array<i32>} : memref<2x10240xi32, #tpu.memory_space<vmem>>, vector<16xi32>,
        %parallel_loop3A_113 = tpu.vector_load_idx %arg18[%parallel_loop3A_108] : memref<12288xf32, #tpu.memory_space<vmem>>[vector<16xi32>], vector<16xf32>,
        %parallel_loop3A_114 = vector.broadcast %multiple_of3A : i32 to vector<16xi32>
        %parallel_loop3A_115 = arith.subi %parallel_loop3A_112, %parallel_loop3A_114 : vector<16xi32>
        %parallel_loop3A_116 = arith.constant 0 : i32
        %parallel_loop3A_117 = vector.broadcast %parallel_loop3A_116 : i32 to vector<16xi32>
        %parallel_loop3A_118 = arith.cmpi sge, %parallel_loop3A_115, %parallel_loop3A_117 : vector<16xi32>
        %parallel_loop3A_119 = arith.constant 6144 : i32
        %parallel_loop3A_120 = vector.broadcast %parallel_loop3A_119 : i32 to vector<16xi32>
        %parallel_loop3A_121 = arith.cmpi slt, %parallel_loop3A_115, %parallel_loop3A_120 : vector<16xi32>
        %parallel_loop3A_122 = arith.andi %parallel_loop3A_118, %parallel_loop3A_121 : vector<16xi1>
        %parallel_loop3A_123 = arith.constant 6144 : i32
        %parallel_loop3A_124 = vector.broadcast %parallel_loop3A_123 : i32 to vector<16xi32>
        %parallel_loop3A_125 = arith.select %parallel_loop3A_122, %parallel_loop3A_115, %parallel_loop3A_124 : vector<16xi1>, vector<16xi32>
        tpu.vector_store_idx %arg19[%parallel_loop3A_125], %parallel_loop3A_113 {add = true} : memref<6160xf32, #tpu.memory_space<vmem>>[vector<16xi32>], vector<16xf32>,
      } {sc.loop_unroll_factor = 1 : i64, sc.parallel_access}
    } else {
    }
    "tpu.region"() ({
      %run_scoped3A = tpu.sem_alloc : memref<!tpu.dma_semaphore, #tpu.memory_space<semaphore_mem>>
      %dma_start3A_101 = arith.constant 0 : i32
      %dma_start3A_102 = tpu.memref_slice %arg19[%dma_start3A_101] : memref<6160xf32, #tpu.memory_space<vmem>> -> memref<6144xf32, #tpu.memory_space<vmem>>
      %dma_start3A_103 = arith.constant 0 : i32
      %dma_start3A_104 = tpu.memref_slice %arg10[%arg0, %arg1, %dma_start3A_103] : memref<2x16x6144xf32, #tpu.memory_space<hbm>> -> memref<1x1x6144xf32, #tpu.memory_space<hbm>>
      %dma_start3A_105 = tpu.memref_squeeze %dma_start3A_104 : memref<1x1x6144xf32, #tpu.memory_space<hbm>> -> memref<6144xf32, #tpu.memory_space<hbm>>
      %dma_start3A_106 = arith.constant 0 : i32
      %dma_start3A_107 = tpu.memref_slice %arg10[%arg0, %arg1, %dma_start3A_106] : memref<2x16x6144xf32, #tpu.memory_space<hbm>> -> memref<1x1x6144xf32, #tpu.memory_space<hbm>>
      %dma_start3A_108 = tpu.memref_squeeze %dma_start3A_107 : memref<1x1x6144xf32, #tpu.memory_space<hbm>> -> memref<6144xf32, #tpu.memory_space<hbm>>
      %dma_start3A_109 = arith.constant 0 : i32
      %dma_start3A_110 = tpu.memref_slice %arg19[%dma_start3A_109] : memref<6160xf32, #tpu.memory_space<vmem>> -> memref<6144xf32, #tpu.memory_space<vmem>>
      tpu.enqueue_dma source(%dma_start3A_110 : memref<6144xf32, #tpu.memory_space<vmem>>) target(%dma_start3A_108 : memref<6144xf32, #tpu.memory_space<hbm>>) target_semaphore(%run_scoped3A : memref<!tpu.dma_semaphore, #tpu.memory_space<semaphore_mem>>)
      %dma_wait3A_111 = arith.constant 0 : i32
      %dma_wait3A_112 = tpu.memref_slice %arg19[%dma_wait3A_111] : memref<6160xf32, #tpu.memory_space<vmem>> -> memref<6144xf32, #tpu.memory_space<vmem>>
      %dma_wait3A_113 = arith.constant 0 : i32
      %dma_wait3A_114 = tpu.memref_slice %arg10[%arg0, %arg1, %dma_wait3A_113] : memref<2x16x6144xf32, #tpu.memory_space<hbm>> -> memref<1x1x6144xf32, #tpu.memory_space<hbm>>
      %dma_wait3A_115 = tpu.memref_squeeze %dma_wait3A_114 : memref<1x1x6144xf32, #tpu.memory_space<hbm>> -> memref<6144xf32, #tpu.memory_space<hbm>>
      %dma_wait3A_116 = arith.constant 0 : i32
      %dma_wait3A_117 = tpu.memref_slice %arg10[%arg0, %arg1, %dma_wait3A_116] : memref<2x16x6144xf32, #tpu.memory_space<hbm>> -> memref<1x1x6144xf32, #tpu.memory_space<hbm>>
      %dma_wait3A_118 = tpu.memref_squeeze %dma_wait3A_117 : memref<1x1x6144xf32, #tpu.memory_space<hbm>> -> memref<6144xf32, #tpu.memory_space<hbm>>
      %dma_wait3A_119 = arith.constant 0 : i32
      %dma_wait3A_120 = tpu.memref_slice %arg19[%dma_wait3A_119] : memref<6160xf32, #tpu.memory_space<vmem>> -> memref<6144xf32, #tpu.memory_space<vmem>>
      tpu.wait_dma2 semaphore(%run_scoped3A : memref<!tpu.dma_semaphore, #tpu.memory_space<semaphore_mem>>) src(%dma_wait3A_120 : memref<6144xf32, #tpu.memory_space<vmem>>) dst(%dma_wait3A_118 : memref<6144xf32, #tpu.memory_space<hbm>>)
      tpu.yield
    }) : () -> ()
    %barrier3A_78 = arith.constant 0 : index
    tpu.barrier barrier_id(%barrier3A_78)
    %mul3A_79 = arith.constant 384 : i32
    %mul3A_80 = arith.muli %arg1, %mul3A_79 : i32
    %multiple_of3A_81 = tpu.assume_multiple %mul3A_80, 128 : i32
    "tpu.region"() ({
      %run_scoped3A = tpu.sem_alloc : memref<!tpu.dma_semaphore, #tpu.memory_space<semaphore_mem>>
      %dma_start3A_101 = arith.constant 0 : i32
      %dma_start3A_102 = tpu.memref_slice %arg10[%arg0, %dma_start3A_101, %multiple_of3A_81] : memref<2x16x6144xf32, #tpu.memory_space<hbm>> -> memref<1x16x384xf32, #tpu.memory_space<hbm>>
      %dma_start3A_103 = tpu.memref_squeeze %dma_start3A_102 : memref<1x16x384xf32, #tpu.memory_space<hbm>> -> memref<16x384xf32, #tpu.memory_space<hbm>>
      %dma_start3A_104 = arith.constant 0 : i32
      %dma_start3A_105 = tpu.memref_slice %arg10[%arg0, %dma_start3A_104, %multiple_of3A_81] : memref<2x16x6144xf32, #tpu.memory_space<hbm>> -> memref<1x16x384xf32, #tpu.memory_space<hbm>>
      %dma_start3A_106 = tpu.memref_squeeze %dma_start3A_105 : memref<1x16x384xf32, #tpu.memory_space<hbm>> -> memref<16x384xf32, #tpu.memory_space<hbm>>
      tpu.enqueue_dma source(%dma_start3A_106 : memref<16x384xf32, #tpu.memory_space<hbm>>) target(%arg20 : memref<16x384xf32, #tpu.memory_space<vmem>>) target_semaphore(%run_scoped3A : memref<!tpu.dma_semaphore, #tpu.memory_space<semaphore_mem>>)
      %dma_wait3A_107 = arith.constant 0 : i32
      %dma_wait3A_108 = tpu.memref_slice %arg10[%arg0, %dma_wait3A_107, %multiple_of3A_81] : memref<2x16x6144xf32, #tpu.memory_space<hbm>> -> memref<1x16x384xf32, #tpu.memory_space<hbm>>
      %dma_wait3A_109 = tpu.memref_squeeze %dma_wait3A_108 : memref<1x16x384xf32, #tpu.memory_space<hbm>> -> memref<16x384xf32, #tpu.memory_space<hbm>>
      %dma_wait3A_110 = arith.constant 0 : i32
      %dma_wait3A_111 = tpu.memref_slice %arg10[%arg0, %dma_wait3A_110, %multiple_of3A_81] : memref<2x16x6144xf32, #tpu.memory_space<hbm>> -> memref<1x16x384xf32, #tpu.memory_space<hbm>>
      %dma_wait3A_112 = tpu.memref_squeeze %dma_wait3A_111 : memref<1x16x384xf32, #tpu.memory_space<hbm>> -> memref<16x384xf32, #tpu.memory_space<hbm>>
      tpu.wait_dma2 semaphore(%run_scoped3A : memref<!tpu.dma_semaphore, #tpu.memory_space<semaphore_mem>>) src(%dma_wait3A_112 : memref<16x384xf32, #tpu.memory_space<hbm>>) dst(%arg20 : memref<16x384xf32, #tpu.memory_space<vmem>>)
      tpu.yield
    }) : () -> ()
    %scan3A_82 = arith.constant 0 : i32
    %scan3A_83 = arith.constant 0 : i32
    %scan3A_84 = arith.constant 24 : i32
    %scan3A_85 = arith.addi %scan3A_83, %scan3A_84 : i32
    %scan3A_86 = arith.constant 2 : i32
    scf.for %scan3A_101 = %scan3A_83 to %scan3A_85 step %scan3A_86  : i32 {
      %mul3A_102 = arith.constant 16 : i32
      %mul3A_103 = arith.muli %scan3A_101, %mul3A_102 : i32
      %get3A = arith.constant 0 : i32
      %get3A_104 = arith.index_cast %get3A : i32 to index
      %get3A_105 = arith.index_cast %mul3A_103 : i32 to index
      %get3A_106 = tpu.vector_load %arg20[%get3A_104, %get3A_105] {strides = array<i32>} : memref<16x384xf32, #tpu.memory_space<vmem>>, vector<16xf32>,
      %mul3A_107 = arith.constant 16 : i32
      %mul3A_108 = arith.muli %scan3A_101, %mul3A_107 : i32
      %get3A_109 = arith.constant 1 : i32
      %get3A_110 = arith.index_cast %get3A_109 : i32 to index
      %get3A_111 = arith.index_cast %mul3A_108 : i32 to index
      %get3A_112 = tpu.vector_load %arg20[%get3A_110, %get3A_111] {strides = array<i32>} : memref<16x384xf32, #tpu.memory_space<vmem>>, vector<16xf32>,
      %add3A_113 = arith.addf %get3A_106, %get3A_112 : vector<16xf32>
      %mul3A_114 = arith.constant 16 : i32
      %mul3A_115 = arith.muli %scan3A_101, %mul3A_114 : i32
      %get3A_116 = arith.constant 2 : i32
      %get3A_117 = arith.index_cast %get3A_116 : i32 to index
      %get3A_118 = arith.index_cast %mul3A_115 : i32 to index
      %get3A_119 = tpu.vector_load %arg20[%get3A_117, %get3A_118] {strides = array<i32>} : memref<16x384xf32, #tpu.memory_space<vmem>>, vector<16xf32>,
      %add3A_120 = arith.addf %add3A_113, %get3A_119 : vector<16xf32>
      %mul3A_121 = arith.constant 16 : i32
      %mul3A_122 = arith.muli %scan3A_101, %mul3A_121 : i32
      %get3A_123 = arith.constant 3 : i32
      %get3A_124 = arith.index_cast %get3A_123 : i32 to index
      %get3A_125 = arith.index_cast %mul3A_122 : i32 to index
      %get3A_126 = tpu.vector_load %arg20[%get3A_124, %get3A_125] {strides = array<i32>} : memref<16x384xf32, #tpu.memory_space<vmem>>, vector<16xf32>,
      %add3A_127 = arith.addf %add3A_120, %get3A_126 : vector<16xf32>
      %mul3A_128 = arith.constant 16 : i32
      %mul3A_129 = arith.muli %scan3A_101, %mul3A_128 : i32
      %get3A_130 = arith.constant 4 : i32
      %get3A_131 = arith.index_cast %get3A_130 : i32 to index
      %get3A_132 = arith.index_cast %mul3A_129 : i32 to index
      %get3A_133 = tpu.vector_load %arg20[%get3A_131, %get3A_132] {strides = array<i32>} : memref<16x384xf32, #tpu.memory_space<vmem>>, vector<16xf32>,
      %add3A_134 = arith.addf %add3A_127, %get3A_133 : vector<16xf32>
      %mul3A_135 = arith.constant 16 : i32
      %mul3A_136 = arith.muli %scan3A_101, %mul3A_135 : i32
      %get3A_137 = arith.constant 5 : i32
      %get3A_138 = arith.index_cast %get3A_137 : i32 to index
      %get3A_139 = arith.index_cast %mul3A_136 : i32 to index
      %get3A_140 = tpu.vector_load %arg20[%get3A_138, %get3A_139] {strides = array<i32>} : memref<16x384xf32, #tpu.memory_space<vmem>>, vector<16xf32>,
      %add3A_141 = arith.addf %add3A_134, %get3A_140 : vector<16xf32>
      %mul3A_142 = arith.constant 16 : i32
      %mul3A_143 = arith.muli %scan3A_101, %mul3A_142 : i32
      %get3A_144 = arith.constant 6 : i32
      %get3A_145 = arith.index_cast %get3A_144 : i32 to index
      %get3A_146 = arith.index_cast %mul3A_143 : i32 to index
      %get3A_147 = tpu.vector_load %arg20[%get3A_145, %get3A_146] {strides = array<i32>} : memref<16x384xf32, #tpu.memory_space<vmem>>, vector<16xf32>,
      %add3A_148 = arith.addf %add3A_141, %get3A_147 : vector<16xf32>
      %mul3A_149 = arith.constant 16 : i32
      %mul3A_150 = arith.muli %scan3A_101, %mul3A_149 : i32
      %get3A_151 = arith.constant 7 : i32
      %get3A_152 = arith.index_cast %get3A_151 : i32 to index
      %get3A_153 = arith.index_cast %mul3A_150 : i32 to index
      %get3A_154 = tpu.vector_load %arg20[%get3A_152, %get3A_153] {strides = array<i32>} : memref<16x384xf32, #tpu.memory_space<vmem>>, vector<16xf32>,
      %add3A_155 = arith.addf %add3A_148, %get3A_154 : vector<16xf32>
      %mul3A_156 = arith.constant 16 : i32
      %mul3A_157 = arith.muli %scan3A_101, %mul3A_156 : i32
      %get3A_158 = arith.constant 8 : i32
      %get3A_159 = arith.index_cast %get3A_158 : i32 to index
      %get3A_160 = arith.index_cast %mul3A_157 : i32 to index
      %get3A_161 = tpu.vector_load %arg20[%get3A_159, %get3A_160] {strides = array<i32>} : memref<16x384xf32, #tpu.memory_space<vmem>>, vector<16xf32>,
      %add3A_162 = arith.addf %add3A_155, %get3A_161 : vector<16xf32>
      %mul3A_163 = arith.constant 16 : i32
      %mul3A_164 = arith.muli %scan3A_101, %mul3A_163 : i32
      %get3A_165 = arith.constant 9 : i32
      %get3A_166 = arith.index_cast %get3A_165 : i32 to index
      %get3A_167 = arith.index_cast %mul3A_164 : i32 to index
      %get3A_168 = tpu.vector_load %arg20[%get3A_166, %get3A_167] {strides = array<i32>} : memref<16x384xf32, #tpu.memory_space<vmem>>, vector<16xf32>,
      %add3A_169 = arith.addf %add3A_162, %get3A_168 : vector<16xf32>
      %mul3A_170 = arith.constant 16 : i32
      %mul3A_171 = arith.muli %scan3A_101, %mul3A_170 : i32
      %get3A_172 = arith.constant 10 : i32
      %get3A_173 = arith.index_cast %get3A_172 : i32 to index
      %get3A_174 = arith.index_cast %mul3A_171 : i32 to index
      %get3A_175 = tpu.vector_load %arg20[%get3A_173, %get3A_174] {strides = array<i32>} : memref<16x384xf32, #tpu.memory_space<vmem>>, vector<16xf32>,
      %add3A_176 = arith.addf %add3A_169, %get3A_175 : vector<16xf32>
      %mul3A_177 = arith.constant 16 : i32
      %mul3A_178 = arith.muli %scan3A_101, %mul3A_177 : i32
      %get3A_179 = arith.constant 11 : i32
      %get3A_180 = arith.index_cast %get3A_179 : i32 to index
      %get3A_181 = arith.index_cast %mul3A_178 : i32 to index
      %get3A_182 = tpu.vector_load %arg20[%get3A_180, %get3A_181] {strides = array<i32>} : memref<16x384xf32, #tpu.memory_space<vmem>>, vector<16xf32>,
      %add3A_183 = arith.addf %add3A_176, %get3A_182 : vector<16xf32>
      %mul3A_184 = arith.constant 16 : i32
      %mul3A_185 = arith.muli %scan3A_101, %mul3A_184 : i32
      %get3A_186 = arith.constant 12 : i32
      %get3A_187 = arith.index_cast %get3A_186 : i32 to index
      %get3A_188 = arith.index_cast %mul3A_185 : i32 to index
      %get3A_189 = tpu.vector_load %arg20[%get3A_187, %get3A_188] {strides = array<i32>} : memref<16x384xf32, #tpu.memory_space<vmem>>, vector<16xf32>,
      %add3A_190 = arith.addf %add3A_183, %get3A_189 : vector<16xf32>
      %mul3A_191 = arith.constant 16 : i32
      %mul3A_192 = arith.muli %scan3A_101, %mul3A_191 : i32
      %get3A_193 = arith.constant 13 : i32
      %get3A_194 = arith.index_cast %get3A_193 : i32 to index
      %get3A_195 = arith.index_cast %mul3A_192 : i32 to index
      %get3A_196 = tpu.vector_load %arg20[%get3A_194, %get3A_195] {strides = array<i32>} : memref<16x384xf32, #tpu.memory_space<vmem>>, vector<16xf32>,
      %add3A_197 = arith.addf %add3A_190, %get3A_196 : vector<16xf32>
      %mul3A_198 = arith.constant 16 : i32
      %mul3A_199 = arith.muli %scan3A_101, %mul3A_198 : i32
      %get3A_200 = arith.constant 14 : i32
      %get3A_201 = arith.index_cast %get3A_200 : i32 to index
      %get3A_202 = arith.index_cast %mul3A_199 : i32 to index
      %get3A_203 = tpu.vector_load %arg20[%get3A_201, %get3A_202] {strides = array<i32>} : memref<16x384xf32, #tpu.memory_space<vmem>>, vector<16xf32>,
      %add3A_204 = arith.addf %add3A_197, %get3A_203 : vector<16xf32>
      %mul3A_205 = arith.constant 16 : i32
      %mul3A_206 = arith.muli %scan3A_101, %mul3A_205 : i32
      %get3A_207 = arith.constant 15 : i32
      %get3A_208 = arith.index_cast %get3A_207 : i32 to index
      %get3A_209 = arith.index_cast %mul3A_206 : i32 to index
      %get3A_210 = tpu.vector_load %arg20[%get3A_208, %get3A_209] {strides = array<i32>} : memref<16x384xf32, #tpu.memory_space<vmem>>, vector<16xf32>,
      %add3A_211 = arith.addf %add3A_204, %get3A_210 : vector<16xf32>
      %mul3A_212 = arith.constant 16 : i32
      %mul3A_213 = arith.muli %scan3A_101, %mul3A_212 : i32
      %get3A_214 = arith.index_cast %mul3A_213 : i32 to index
      %get3A_215 = tpu.vector_load %arg21[%get3A_214] {strides = array<i32>} : memref<384xf32, #tpu.memory_space<vmem>>, vector<16xf32>,
      %mul3A_216 = arith.constant 16 : i32
      %mul3A_217 = arith.muli %scan3A_101, %mul3A_216 : i32
      %get3A_218 = arith.index_cast %mul3A_217 : i32 to index
      %get3A_219 = tpu.vector_load %arg22[%get3A_218] {strides = array<i32>} : memref<384xf32, #tpu.memory_space<vmem>>, vector<16xf32>,
      %mul3A_220 = arith.mulf %get3A_215, %add3A_211 : vector<16xf32>
      %add3A_221 = arith.addf %get3A_219, %mul3A_220 : vector<16xf32>
      %mul3A_222 = arith.constant 16 : i32
      %mul3A_223 = arith.muli %scan3A_101, %mul3A_222 : i32
      %swap3A_224 = arith.index_cast %mul3A_223 : i32 to index
      %swap3A_225 = tpu.vector_load %arg23[%swap3A_224] {strides = array<i32>} : memref<384xf32, #tpu.memory_space<vmem>>, vector<16xf32>,
      tpu.vector_store %arg23[%swap3A_224], %add3A_221 {strides = array<i32>} : memref<384xf32, #tpu.memory_space<vmem>>, vector<16xf32>,
      %scan3A_226 = arith.constant 1 : i32
      %scan3A_227 = arith.addi %scan3A_101, %scan3A_226 : i32
      %mul3A_228 = arith.constant 16 : i32
      %mul3A_229 = arith.muli %scan3A_227, %mul3A_228 : i32
      %get3A_230 = arith.constant 0 : i32
      %get3A_231 = arith.index_cast %get3A_230 : i32 to index
      %get3A_232 = arith.index_cast %mul3A_229 : i32 to index
      %get3A_233 = tpu.vector_load %arg20[%get3A_231, %get3A_232] {strides = array<i32>} : memref<16x384xf32, #tpu.memory_space<vmem>>, vector<16xf32>,
      %mul3A_234 = arith.constant 16 : i32
      %mul3A_235 = arith.muli %scan3A_227, %mul3A_234 : i32
      %get3A_236 = arith.constant 1 : i32
      %get3A_237 = arith.index_cast %get3A_236 : i32 to index
      %get3A_238 = arith.index_cast %mul3A_235 : i32 to index
      %get3A_239 = tpu.vector_load %arg20[%get3A_237, %get3A_238] {strides = array<i32>} : memref<16x384xf32, #tpu.memory_space<vmem>>, vector<16xf32>,
      %add3A_240 = arith.addf %get3A_233, %get3A_239 : vector<16xf32>
      %mul3A_241 = arith.constant 16 : i32
      %mul3A_242 = arith.muli %scan3A_227, %mul3A_241 : i32
      %get3A_243 = arith.constant 2 : i32
      %get3A_244 = arith.index_cast %get3A_243 : i32 to index
      %get3A_245 = arith.index_cast %mul3A_242 : i32 to index
      %get3A_246 = tpu.vector_load %arg20[%get3A_244, %get3A_245] {strides = array<i32>} : memref<16x384xf32, #tpu.memory_space<vmem>>, vector<16xf32>,
      %add3A_247 = arith.addf %add3A_240, %get3A_246 : vector<16xf32>
      %mul3A_248 = arith.constant 16 : i32
      %mul3A_249 = arith.muli %scan3A_227, %mul3A_248 : i32
      %get3A_250 = arith.constant 3 : i32
      %get3A_251 = arith.index_cast %get3A_250 : i32 to index
      %get3A_252 = arith.index_cast %mul3A_249 : i32 to index
      %get3A_253 = tpu.vector_load %arg20[%get3A_251, %get3A_252] {strides = array<i32>} : memref<16x384xf32, #tpu.memory_space<vmem>>, vector<16xf32>,
      %add3A_254 = arith.addf %add3A_247, %get3A_253 : vector<16xf32>
      %mul3A_255 = arith.constant 16 : i32
      %mul3A_256 = arith.muli %scan3A_227, %mul3A_255 : i32
      %get3A_257 = arith.constant 4 : i32
      %get3A_258 = arith.index_cast %get3A_257 : i32 to index
      %get3A_259 = arith.index_cast %mul3A_256 : i32 to index
      %get3A_260 = tpu.vector_load %arg20[%get3A_258, %get3A_259] {strides = array<i32>} : memref<16x384xf32, #tpu.memory_space<vmem>>, vector<16xf32>,
      %add3A_261 = arith.addf %add3A_254, %get3A_260 : vector<16xf32>
      %mul3A_262 = arith.constant 16 : i32
      %mul3A_263 = arith.muli %scan3A_227, %mul3A_262 : i32
      %get3A_264 = arith.constant 5 : i32
      %get3A_265 = arith.index_cast %get3A_264 : i32 to index
      %get3A_266 = arith.index_cast %mul3A_263 : i32 to index
      %get3A_267 = tpu.vector_load %arg20[%get3A_265, %get3A_266] {strides = array<i32>} : memref<16x384xf32, #tpu.memory_space<vmem>>, vector<16xf32>,
      %add3A_268 = arith.addf %add3A_261, %get3A_267 : vector<16xf32>
      %mul3A_269 = arith.constant 16 : i32
      %mul3A_270 = arith.muli %scan3A_227, %mul3A_269 : i32
      %get3A_271 = arith.constant 6 : i32
      %get3A_272 = arith.index_cast %get3A_271 : i32 to index
      %get3A_273 = arith.index_cast %mul3A_270 : i32 to index
      %get3A_274 = tpu.vector_load %arg20[%get3A_272, %get3A_273] {strides = array<i32>} : memref<16x384xf32, #tpu.memory_space<vmem>>, vector<16xf32>,
      %add3A_275 = arith.addf %add3A_268, %get3A_274 : vector<16xf32>
      %mul3A_276 = arith.constant 16 : i32
      %mul3A_277 = arith.muli %scan3A_227, %mul3A_276 : i32
      %get3A_278 = arith.constant 7 : i32
      %get3A_279 = arith.index_cast %get3A_278 : i32 to index
      %get3A_280 = arith.index_cast %mul3A_277 : i32 to index
      %get3A_281 = tpu.vector_load %arg20[%get3A_279, %get3A_280] {strides = array<i32>} : memref<16x384xf32, #tpu.memory_space<vmem>>, vector<16xf32>,
      %add3A_282 = arith.addf %add3A_275, %get3A_281 : vector<16xf32>
      %mul3A_283 = arith.constant 16 : i32
      %mul3A_284 = arith.muli %scan3A_227, %mul3A_283 : i32
      %get3A_285 = arith.constant 8 : i32
      %get3A_286 = arith.index_cast %get3A_285 : i32 to index
      %get3A_287 = arith.index_cast %mul3A_284 : i32 to index
      %get3A_288 = tpu.vector_load %arg20[%get3A_286, %get3A_287] {strides = array<i32>} : memref<16x384xf32, #tpu.memory_space<vmem>>, vector<16xf32>,
      %add3A_289 = arith.addf %add3A_282, %get3A_288 : vector<16xf32>
      %mul3A_290 = arith.constant 16 : i32
      %mul3A_291 = arith.muli %scan3A_227, %mul3A_290 : i32
      %get3A_292 = arith.constant 9 : i32
      %get3A_293 = arith.index_cast %get3A_292 : i32 to index
      %get3A_294 = arith.index_cast %mul3A_291 : i32 to index
      %get3A_295 = tpu.vector_load %arg20[%get3A_293, %get3A_294] {strides = array<i32>} : memref<16x384xf32, #tpu.memory_space<vmem>>, vector<16xf32>,
      %add3A_296 = arith.addf %add3A_289, %get3A_295 : vector<16xf32>
      %mul3A_297 = arith.constant 16 : i32
      %mul3A_298 = arith.muli %scan3A_227, %mul3A_297 : i32
      %get3A_299 = arith.constant 10 : i32
      %get3A_300 = arith.index_cast %get3A_299 : i32 to index
      %get3A_301 = arith.index_cast %mul3A_298 : i32 to index
      %get3A_302 = tpu.vector_load %arg20[%get3A_300, %get3A_301] {strides = array<i32>} : memref<16x384xf32, #tpu.memory_space<vmem>>, vector<16xf32>,
      %add3A_303 = arith.addf %add3A_296, %get3A_302 : vector<16xf32>
      %mul3A_304 = arith.constant 16 : i32
      %mul3A_305 = arith.muli %scan3A_227, %mul3A_304 : i32
      %get3A_306 = arith.constant 11 : i32
      %get3A_307 = arith.index_cast %get3A_306 : i32 to index
      %get3A_308 = arith.index_cast %mul3A_305 : i32 to index
      %get3A_309 = tpu.vector_load %arg20[%get3A_307, %get3A_308] {strides = array<i32>} : memref<16x384xf32, #tpu.memory_space<vmem>>, vector<16xf32>,
      %add3A_310 = arith.addf %add3A_303, %get3A_309 : vector<16xf32>
      %mul3A_311 = arith.constant 16 : i32
      %mul3A_312 = arith.muli %scan3A_227, %mul3A_311 : i32
      %get3A_313 = arith.constant 12 : i32
      %get3A_314 = arith.index_cast %get3A_313 : i32 to index
      %get3A_315 = arith.index_cast %mul3A_312 : i32 to index
      %get3A_316 = tpu.vector_load %arg20[%get3A_314, %get3A_315] {strides = array<i32>} : memref<16x384xf32, #tpu.memory_space<vmem>>, vector<16xf32>,
      %add3A_317 = arith.addf %add3A_310, %get3A_316 : vector<16xf32>
      %mul3A_318 = arith.constant 16 : i32
      %mul3A_319 = arith.muli %scan3A_227, %mul3A_318 : i32
      %get3A_320 = arith.constant 13 : i32
      %get3A_321 = arith.index_cast %get3A_320 : i32 to index
      %get3A_322 = arith.index_cast %mul3A_319 : i32 to index
      %get3A_323 = tpu.vector_load %arg20[%get3A_321, %get3A_322] {strides = array<i32>} : memref<16x384xf32, #tpu.memory_space<vmem>>, vector<16xf32>,
      %add3A_324 = arith.addf %add3A_317, %get3A_323 : vector<16xf32>
      %mul3A_325 = arith.constant 16 : i32
      %mul3A_326 = arith.muli %scan3A_227, %mul3A_325 : i32
      %get3A_327 = arith.constant 14 : i32
      %get3A_328 = arith.index_cast %get3A_327 : i32 to index
      %get3A_329 = arith.index_cast %mul3A_326 : i32 to index
      %get3A_330 = tpu.vector_load %arg20[%get3A_328, %get3A_329] {strides = array<i32>} : memref<16x384xf32, #tpu.memory_space<vmem>>, vector<16xf32>,
      %add3A_331 = arith.addf %add3A_324, %get3A_330 : vector<16xf32>
      %mul3A_332 = arith.constant 16 : i32
      %mul3A_333 = arith.muli %scan3A_227, %mul3A_332 : i32
      %get3A_334 = arith.constant 15 : i32
      %get3A_335 = arith.index_cast %get3A_334 : i32 to index
      %get3A_336 = arith.index_cast %mul3A_333 : i32 to index
      %get3A_337 = tpu.vector_load %arg20[%get3A_335, %get3A_336] {strides = array<i32>} : memref<16x384xf32, #tpu.memory_space<vmem>>, vector<16xf32>,
      %add3A_338 = arith.addf %add3A_331, %get3A_337 : vector<16xf32>
      %mul3A_339 = arith.constant 16 : i32
      %mul3A_340 = arith.muli %scan3A_227, %mul3A_339 : i32
      %get3A_341 = arith.index_cast %mul3A_340 : i32 to index
      %get3A_342 = tpu.vector_load %arg21[%get3A_341] {strides = array<i32>} : memref<384xf32, #tpu.memory_space<vmem>>, vector<16xf32>,
      %mul3A_343 = arith.constant 16 : i32
      %mul3A_344 = arith.muli %scan3A_227, %mul3A_343 : i32
      %get3A_345 = arith.index_cast %mul3A_344 : i32 to index
      %get3A_346 = tpu.vector_load %arg22[%get3A_345] {strides = array<i32>} : memref<384xf32, #tpu.memory_space<vmem>>, vector<16xf32>,
      %mul3A_347 = arith.mulf %get3A_342, %add3A_338 : vector<16xf32>
      %add3A_348 = arith.addf %get3A_346, %mul3A_347 : vector<16xf32>
      %mul3A_349 = arith.constant 16 : i32
      %mul3A_350 = arith.muli %scan3A_227, %mul3A_349 : i32
      %swap3A_351 = arith.index_cast %mul3A_350 : i32 to index
      %swap3A_352 = tpu.vector_load %arg23[%swap3A_351] {strides = array<i32>} : memref<384xf32, #tpu.memory_space<vmem>>, vector<16xf32>,
      tpu.vector_store %arg23[%swap3A_351], %add3A_348 {strides = array<i32>} : memref<384xf32, #tpu.memory_space<vmem>>, vector<16xf32>,
    }
    %scan3A_87 = arith.constant 24 : i32
    %add3A_88 = arith.constant 384 : i32
    %add3A_89 = arith.addi %multiple_of3A_3, %add3A_88 : i32
    %le3A = arith.constant 10000 : i32
    %le3A_90 = arith.cmpi sle, %add3A_89, %le3A : i32
    %convert_element_type3A_91 = arith.extui %le3A_90 : i1 to i32
    %cond3A_92 = arith.constant 0 : i32
    %cond3A_93 = arith.cmpi ne, %convert_element_type3A_91, %cond3A_92 : i32
    scf.if %cond3A_93 {
      "tpu.region"() ({
        %run_scoped3A = tpu.sem_alloc : memref<!tpu.dma_semaphore, #tpu.memory_space<semaphore_mem>>
        %dma_start3A_101 = tpu.memref_slice %arg5[%multiple_of3A_3] : memref<10000xf32, #tpu.memory_space<hbm>> -> memref<384xf32, #tpu.memory_space<hbm>>
        %dma_start3A_102 = tpu.memref_slice %arg5[%multiple_of3A_3] : memref<10000xf32, #tpu.memory_space<hbm>> -> memref<384xf32, #tpu.memory_space<hbm>>
        tpu.enqueue_dma source(%arg23 : memref<384xf32, #tpu.memory_space<vmem>>) target(%dma_start3A_102 : memref<384xf32, #tpu.memory_space<hbm>>) target_semaphore(%run_scoped3A : memref<!tpu.dma_semaphore, #tpu.memory_space<semaphore_mem>>)
        %dma_wait3A_103 = tpu.memref_slice %arg5[%multiple_of3A_3] : memref<10000xf32, #tpu.memory_space<hbm>> -> memref<384xf32, #tpu.memory_space<hbm>>
        %dma_wait3A_104 = tpu.memref_slice %arg5[%multiple_of3A_3] : memref<10000xf32, #tpu.memory_space<hbm>> -> memref<384xf32, #tpu.memory_space<hbm>>
        tpu.wait_dma2 semaphore(%run_scoped3A : memref<!tpu.dma_semaphore, #tpu.memory_space<semaphore_mem>>) src(%arg23 : memref<384xf32, #tpu.memory_space<vmem>>) dst(%dma_wait3A_104 : memref<384xf32, #tpu.memory_space<hbm>>)
        tpu.yield
      }) : () -> ()
    } else {
    }
    %lt3A = arith.constant 10000 : i32
    %lt3A_94 = arith.cmpi slt, %multiple_of3A_3, %lt3A : i32
    %add3A_95 = arith.constant 384 : i32
    %add3A_96 = arith.addi %multiple_of3A_3, %add3A_95 : i32
    %gt3A = arith.constant 10000 : i32
    %gt3A_97 = arith.cmpi sgt, %add3A_96, %gt3A : i32
    %and3A = arith.andi %lt3A_94, %gt3A_97 : i1
    %convert_element_type3A_98 = arith.extui %and3A : i1 to i32
    %cond3A_99 = arith.constant 0 : i32
    %cond3A_100 = arith.cmpi ne, %convert_element_type3A_98, %cond3A_99 : i32
    scf.if %cond3A_100 {
      "tpu.region"() ({
        %run_scoped3A = tpu.sem_alloc : memref<!tpu.dma_semaphore, #tpu.memory_space<semaphore_mem>>
        %dma_start3A_101 = arith.constant 0 : i32
        %dma_start3A_102 = tpu.memref_slice %arg23[%dma_start3A_101] : memref<384xf32, #tpu.memory_space<vmem>> -> memref<16xf32, #tpu.memory_space<vmem>>
        %dma_start3A_103 = tpu.memref_slice %arg5[%multiple_of3A_3] : memref<10000xf32, #tpu.memory_space<hbm>> -> memref<16xf32, #tpu.memory_space<hbm>>
        %dma_start3A_104 = tpu.memref_slice %arg5[%multiple_of3A_3] : memref<10000xf32, #tpu.memory_space<hbm>> -> memref<16xf32, #tpu.memory_space<hbm>>
        %dma_start3A_105 = arith.constant 0 : i32
        %dma_start3A_106 = tpu.memref_slice %arg23[%dma_start3A_105] : memref<384xf32, #tpu.memory_space<vmem>> -> memref<16xf32, #tpu.memory_space<vmem>>
        tpu.enqueue_dma source(%dma_start3A_106 : memref<16xf32, #tpu.memory_space<vmem>>) target(%dma_start3A_104 : memref<16xf32, #tpu.memory_space<hbm>>) target_semaphore(%run_scoped3A : memref<!tpu.dma_semaphore, #tpu.memory_space<semaphore_mem>>)
        %dma_wait3A_107 = arith.constant 0 : i32
        %dma_wait3A_108 = tpu.memref_slice %arg23[%dma_wait3A_107] : memref<384xf32, #tpu.memory_space<vmem>> -> memref<16xf32, #tpu.memory_space<vmem>>
        %dma_wait3A_109 = tpu.memref_slice %arg5[%multiple_of3A_3] : memref<10000xf32, #tpu.memory_space<hbm>> -> memref<16xf32, #tpu.memory_space<hbm>>
        %dma_wait3A_110 = tpu.memref_slice %arg5[%multiple_of3A_3] : memref<10000xf32, #tpu.memory_space<hbm>> -> memref<16xf32, #tpu.memory_space<hbm>>
        %dma_wait3A_111 = arith.constant 0 : i32
        %dma_wait3A_112 = tpu.memref_slice %arg23[%dma_wait3A_111] : memref<384xf32, #tpu.memory_space<vmem>> -> memref<16xf32, #tpu.memory_space<vmem>>
        tpu.wait_dma2 semaphore(%run_scoped3A : memref<!tpu.dma_semaphore, #tpu.memory_space<semaphore_mem>>) src(%dma_wait3A_112 : memref<16xf32, #tpu.memory_space<vmem>>) dst(%dma_wait3A_110 : memref<16xf32, #tpu.memory_space<hbm>>)
        tpu.yield
      }) : () -> ()
    } else {
    }
    return
  }
}

module attributes {stable_mosaic.version = 14 : i64} {
  func.func @_t1a_body(%arg0: i32, %arg1: memref<4096x256xf32, #tpu.memory_space<vmem>>, %arg2: memref<1x256xf32, #tpu.memory_space<vmem>>, %arg3: memref<1xf32, #tpu.memory_space<vmem>>, %arg4: memref<4096xf32, #tpu.memory_space<vmem>>, %arg5: memref<16xf32, #tpu.memory_space<vmem>>) attributes {dimension_semantics = [#tpu.dimension_semantics<arbitrary>], iteration_bounds = array<i64: 3>, scalar_prefetch = 0 : i64, scratch_operands = 0 : i64, tpu.core_type = #tpu.core_type<tc>, window_params = [{transform_indices = @transform_0, window_bounds = array<i64: 4096, 256>}, {pipeline_mode = #tpu.pipeline_mode<synchronous>, transform_indices = @transform_1, window_bounds = array<i64: 1, 256>}, {pipeline_mode = #tpu.pipeline_mode<synchronous>, transform_indices = @transform_2, window_bounds = array<i64: 1>}, {transform_indices = @transform_3, window_bounds = array<i64: 4096>}, {pipeline_mode = #tpu.pipeline_mode<synchronous>, transform_indices = @transform_4, window_bounds = array<i64: 16>}]} {
    %get3A = arith.constant 0 : index
    %get3A_0 = arith.constant 0 : index
    %get3A_1 = vector.load %arg2[%get3A, %get3A_0] : memref<1x256xf32, #tpu.memory_space<vmem>>, vector<1x256xf32>
    %get3A_2 = arith.constant 0 : index
    %get3A_3 = arith.constant 0 : index
    %get3A_4 = vector.load %arg1[%get3A_2, %get3A_3] : memref<4096x256xf32, #tpu.memory_space<vmem>>, vector<4096x256xf32>
    %dot_general3A = arith.constant dense<0.000000e+00> : vector<1x4096xf32>
    %dot_general3A_5 = tpu.matmul %get3A_1, %get3A_4, %dot_general3A {dimension_numbers = #tpu.dot_dimension_numbers<[1], [1], [0], [0], [0, 0, 1, 0], [], []>, transpose_lhs_hint = false} : vector<1x256xf32>, vector<4096x256xf32>, vector<1x4096xf32> -> vector<1x4096xf32>
    %squeeze3A = vector.shape_cast %dot_general3A_5 : vector<1x4096xf32> to vector<4096xf32>
    %swap3A = arith.constant 0 : index
    %swap3A_6 = vector.load %arg4[%swap3A] : memref<4096xf32, #tpu.memory_space<vmem>>, vector<4096xf32>
    tpu.vector_store %arg4[%swap3A], %squeeze3A {strides = array<i32>} : memref<4096xf32, #tpu.memory_space<vmem>>, vector<4096xf32>,
    %get3A_7 = arith.constant 0 : index
    %get3A_8 = vector.load %arg3[%get3A_7] : memref<1xf32, #tpu.memory_space<vmem>>, vector<1xf32>
    %broadcast_in_dim3A = vector.shape_cast %get3A_8 : vector<1xf32> to vector<1xf32>
    %broadcast_in_dim3A_9 = vector.broadcast %broadcast_in_dim3A : vector<1xf32> to vector<16xf32>
    %swap3A_10 = arith.constant 0 : index
    %swap3A_11 = vector.load %arg5[%swap3A_10] : memref<16xf32, #tpu.memory_space<vmem>>, vector<16xf32>
    tpu.vector_store %arg5[%swap3A_10], %broadcast_in_dim3A_9 {strides = array<i32>} : memref<16xf32, #tpu.memory_space<vmem>>, vector<16xf32>,
    return
  }
  func.func @transform_0(%arg0: i32) -> (i32, i32) {
    %min3A = arith.constant 2 : i32
    %min3A_0 = arith.minsi %arg0, %min3A : i32
    %c0_i32 = arith.constant 0 : i32
    %c0_i32_1 = arith.constant 0 : i32
    return %min3A_0, %c0_i32 : i32, i32
  }
  func.func @transform_1(%arg0: i32) -> (i32, i32) {
    %c0_i32 = arith.constant 0 : i32
    %c0_i32_0 = arith.constant 0 : i32
    %c0_i32_1 = arith.constant 0 : i32
    return %c0_i32, %c0_i32_0 : i32, i32
  }
  func.func @transform_2(%arg0: i32) -> i32 {
    %c0_i32 = arith.constant 0 : i32
    %c0_i32_0 = arith.constant 0 : i32
    return %c0_i32 : i32
  }
  func.func @transform_3(%arg0: i32) -> i32 {
    %c0_i32 = arith.constant 0 : i32
    return %arg0 : i32
  }
  func.func @transform_4(%arg0: i32) -> i32 {
    %c0_i32 = arith.constant 0 : i32
    %c0_i32_0 = arith.constant 0 : i32
    return %c0_i32 : i32
  }
}

</mosaic_0001>

<sc_bundles>
// kernel: kernel.4.cloned.1.call-start
scs
__scs_entry_jumppad:
0x0: {  	(pc) =	sbr.rel $0x88, $3  }
0x1: {  	(tag) =	ssettag $0x0;
	lr =	simm.s32 $0x1  }
0x2: {  	[smem:$0x3F9D] =	sst lr;
	_ =	strace $0xD0000000  }
0x3: {  	_ = 	snop  }
0x4: {  	_ = 	snop  }
0x5: {  	_ = 	snop  }
0x6: {  	_ = 	snop  }
0x7: {  	_ = 	snop  }
__scs_overlays_trampoline_lowered:
0x8: {  	[smem:$0x3FAC] =	sst s0  }
0x9: {  	[smem:$0x3FAD] =	sst s1  }
0xa: {  	[smem:$0x3FAE] =	sst s2  }
0xb: {  	[smem:$0x3FAF] =	sst s3  }
0xc: {  	[smem:$0x3FB0] =	sst s4  }
0xd: {  	[smem:$0x3FB1] =	sst s5  }
0xe: {  	[smem:$0x3FB2] =	sst s6  }
0xf: {  	[smem:$0x3FB3] =	sst s7  }
0x10: {  	[smem:$0x3FB4] =	sst s8  }
0x11: {  	[smem:$0x3FB5] =	sst s9;
	s0 =	simm.s32 @!p0 $0x0  }
0x12: {  	s1 =	sld [smem:$0x3F9B];
	s0 =	simm.s32 @p0 $0x1  }
0x13: {  	[smem:$0x3FB6] =	sst s0;
	s0 =	simm.s32 @!p1 $0x0  }
0x14: {  	s2 =	sld [smem:$0x3F9A];
	s0 =	simm.s32 @p1 $0x1  }
0x15: {  	[smem:$0x3FB7] =	sst s0;
	s0 =	simm.s32 @!p2 $0x0  }
0x16: {  	s3 =	sld [smem:$0x3FDB];
	s0 =	simm.s32 @p2 $0x1  }
0x17: {  	s4 =	simm.s32 $0x1BF5;
	[smem:$0x3FB9] =	sst s0  }
0x18: {  	s0 =	sld [smem:$0x3F9C];
	_ =	swait.ge [sflag:s4], $0x0  }
0x19: {  	s7 =	sld [smem:$0x3F9D]  }
0x1a: {  	s8 =	sadd.s32 $0xFFFFE003, lr  }
0x1b: {  	s9 =	sadd.s32 $0xFFFFFEF7, lr;
	s5 =	simm.s32 $0xFFFFFFFF;
	p2 =	slt.u32 s8, $0xFFFFF086  }
0x1c: {  	p1 =	slt.u32 s9, $0xF7A;
	s5 =	simm.s32 @!p2 $0x0  }
0x1d: {  	s5 =	simm.s32 @p1 $0x1;
	p0 =	seq.s32 s7, s2  }
0x1e: {  	s7 =	smul.u32 @!p0 $0xF7A, s2;
	p2 =	seq.s32 @!p0 s5, $0x0  }
0x1f: {  	s9 =	smul.u32 $0xF7A, s1;
	s8 =	simm.s32 @!p0 $0x1BF5;
	p2 =	por !p2, p0  }
0x20: {  	[sflag:s8] =	ssyncset.s32 @!p0 $0xFFFFF086;
	s6 =	sadd.s32 @!p0 s3, s7;
	s7 =	simm.s32 @!p0 $0x108  }
0x21: {  	s3 =	sadd.s32 s3, s9;
	s6 =	sadd.s32 @!p0 $0x88, s6;
	s7 =	simm.s32 @p2 $0x1082  }
0x22: {  	[simem:s7], [sflag:s8] =	dma.local @!p0 [hbm:s6], $0xF7A  }
0x23: {  	s9 =	sor.u32 $0xD0000000, s2;
	s6 =	simm.s32 $0x108;
	_ =	swait.ge @!p0 [sflag:s8], $0x0  }
0x24: {  	s3 =	sadd.s32 $0x88, s3;
	s6 =	simm.s32 @!p1 $0x1082;
	[sflag:s4] =	ssyncset.s32 $0xFFFFF086  }
0x25: {  	[simem:s6], [sflag:s4] =	dma.local [hbm:s3], $0xF7A  }
0x26: {  	[smem:$0x3F9D] =	sst s1;
	(tag) =	ssettag s2;
	_ =	strace s9  }
0x27: {  	s1 =	sld [smem:$0x3FAD]  }
0x28: {  	s2 =	sld [smem:$0x3FAE]  }
0x29: {  	s4 =	sld [smem:$0x3FB0]  }
0x2a: {  	p0 =	seq.s32 s5, $0x0;
	s5 =	sld [smem:$0x3FB1]  }
0x2b: {  	s6 =	sld [smem:$0x3FB2]  }
0x2c: {  	s7 =	sld [smem:$0x3FB3]  }
0x2d: {  	s3 =	simm.s32 $0x108;
	s8 =	sld [smem:$0x3FB4]  }
0x2e: {  	s3 =	simm.s32 @!p0 $0x1082;
	s9 =	sld [smem:$0x3FB5]  }
0x2f: {  	lr =	sadd.s32 s0, s3;
	s0 =	sld [smem:$0x3FAC]  }
0x30: {  	s3 =	sld [smem:$0x3FAF]  }
0x31: {  	[smem:$0x3FB8] =	sst s10  }
0x32: {  	s10 =	sld [smem:$0x3FB6];
	_ =	sdelay $0x3  }
0x33: {  	p0 =	seq.s32 s10, $0x1;
	s10 =	sld [smem:$0x3FB8];
	_ =	sdelay $0x3  }
0x34: {  	[smem:$0x3FB8] =	sst s10  }
0x35: {  	s10 =	sld [smem:$0x3FB7];
	_ =	sdelay $0x3  }
0x36: {  	p1 =	seq.s32 s10, $0x1;
	s10 =	sld [smem:$0x3FB8];
	_ =	sdelay $0x3  }
0x37: {  	[smem:$0x3FB8] =	sst s10  }
0x38: {  	s10 =	sld [smem:$0x3FB9]  }
0x39: {  	_ = 	snop;
	(pc) =	sbr.ind lr, $3  }
0x3a: {  	_ = 	snop  }
0x3b: {  	_ = 	snop  }
0x3c: {  	p2 =	seq.s32 s10, $0x1;
	s10 =	sld [smem:$0x3FB8]  }
0x3d: {  	_ =	shalt  }
0x3e: {  	_ =	shalt  }
0x3f: {  	_ =	shalt  }
0x40: {  	_ =	shalt  }
0x41: {  	_ =	shalt  }
0x42: {  	_ =	shalt  }
0x43: {  	_ =	shalt  }
0x44: {  	_ =	shalt  }
0x45: {  	_ =	shalt  }
0x46: {  	_ =	shalt  }
0x47: {  	_ =	shalt  }
0x48: {  	_ =	shalt  }
0x49: {  	_ =	shalt  }
0x4a: {  	_ =	shalt  }
0x4b: {  	_ =	shalt  }
0x4c: {  	_ =	shalt  }
0x4d: {  	_ =	shalt  }
0x4e: {  	_ =	shalt  }
0x4f: {  	_ =	shalt  }
0x50: {  	_ =	shalt  }
0x51: {  	_ =	shalt  }
0x52: {  	_ =	shalt  }
0x53: {  	_ =	shalt  }
0x54: {  	_ =	shalt  }
0x55: {  	_ =	shalt  }
0x56: {  	_ =	shalt  }
0x57: {  	_ =	shalt  }
0x58: {  	_ =	shalt  }
0x59: {  	_ =	shalt  }
0x5a: {  	_ =	shalt  }
0x5b: {  	_ =	shalt  }
0x5c: {  	_ =	shalt  }
0x5d: {  	_ =	shalt  }
0x5e: {  	_ =	shalt  }
0x5f: {  	_ =	shalt  }
0x60: {  	_ =	shalt  }
0x61: {  	_ =	shalt  }
0x62: {  	_ =	shalt  }
0x63: {  	_ =	shalt  }
0x64: {  	_ =	shalt  }
0x65: {  	_ =	shalt  }
0x66: {  	_ =	shalt  }
0x67: {  	_ =	shalt  }
0x68: {  	_ =	shalt  }
0x69: {  	_ =	shalt  }
0x6a: {  	_ =	shalt  }
0x6b: {  	_ =	shalt  }
0x6c: {  	_ =	shalt  }
0x6d: {  	_ =	shalt  }
0x6e: {  	_ =	shalt  }
0x6f: {  	_ =	shalt  }
0x70: {  	_ =	shalt  }
0x71: {  	_ =	shalt  }
0x72: {  	_ =	shalt  }
0x73: {  	_ =	shalt  }
0x74: {  	_ =	shalt  }
0x75: {  	_ =	shalt  }
0x76: {  	_ =	shalt  }
0x77: {  	_ =	shalt  }
0x78: {  	_ =	shalt  }
0x79: {  	_ =	shalt  }
0x7a: {  	_ =	shalt  }
0x7b: {  	_ =	shalt  }
0x7c: {  	_ =	shalt  }
0x7d: {  	_ =	shalt  }
0x7e: {  	_ =	shalt  }
0x7f: {  	_ =	shalt  }
0x80: {  	_ =	shalt  }
0x81: {  	_ =	shalt  }
0x82: {  	_ =	shalt  }
0x83: {  	_ =	shalt  }
0x84: {  	_ =	shalt  }
0x85: {  	_ =	shalt  }
0x86: {  	_ =	shalt  }
0x87: {  	_ =	shalt  }
.Lfunc_end0:
.L_simem_size_0:
called_computation_lowered:
.L_overlay_start_0:
0x88: {  	s2 =	sld [smem:$0x3FD9]  }
0x89: {  	s3 =	sld [smem:$0x3FFE];
	_ =	sdelay $0x1  }
0x8a: {  	s1 =	srdreg.scid  }
0x8b: {  	s0 =	sand.u32 $0x1, s1  }
0x8c: {  	s17 =	sshll.u32 s0, $0xA;
	s2 =	sadd.s32 s3, s2  }
0x8d: {  	s2 =	sadd.s32 s2, s17  }
0x8e: {  	[smem:$0x3FC4] =	sst s2  }
0x8f: {  	_ = 	snop  }
0x90: {  	s2 =	sld [smem:$0x3FC8]  }
0x91: {  	s18 =	sld [smem:$0x3FD0];
	(tm) =	ssettm $0x1  }
0x92: {  	s4 =	sld [smem:$0x3FFB];
	_ =	sdelay $0x3  }
0x93: {  	_ =	strace s4  }
0x94: {  	s4 =	sld [smem:$0x3FFC];
	_ =	sdelay $0x3  }
0x95: {  	_ =	strace s4  }
0x96: {  	s4 =	sld [smem:$0x3FFD];
	_ =	sdelay $0x3  }
0x97: {  	_ =	strace s4  }
0x98: {  	_ =	strace $0x8FFFFFFF  }
0x99: {  	s19 =	sld [smem:$0x3FDB];
	_ =	sdelay $0x1  }
0x9a: {  	s5 =	simm.s32 $_scs_section_size  }
0x9b: {  	s6 =	simm.s32 $_size__tile_overlayer_lowered;
	s7 =	simm.s32 $_tile_overlayer_lowered  }
0x9c: {  	s22 =	simm.s32 $0x1BFF;
	s21 =	sshll.u32 s7, $0x1;
	s4 =	sadd.s32 s5, s19  }
0x9d: {  	s8 =	simm.s32 $0x0;
	s20 =	sshll.u32 s6, $0x1;
	s6 =	sadd.s32 s21, s4  }
0x9e: {  	[timem:s8], [sflag:s22] =	dma.local [hbm:s6], s20  }
0x9f: {  	_ =	swait.ge [sflag:s22], s20  }
0xa0: {  	s5 =	ssub.s32 $0x0, s20;
	[sflag:s22] =	ssyncset.done $0x0  }
0xa1: {  	[sflag:s22] =	ssyncadd.s32 s5;
	_ =	sdelay $0x1  }
0xa2: {  	s23 =	simm.s32 $0x1B8B  }
0xa3: {  	_ =	swait.ge [sflag:s23], $0x1  }
0xa4: {  	[sflag:s23] =	ssyncset.done $0x0  }
0xa5: {  	s25 =	simm.s32 $0x1B8E;
	s24 =	sld [smem:$0x3FFE];
	[sflag:s23] =	ssyncadd.s32 $0xFFFFFFFF  }
0xa6: {  	s26 =	simm.s32 $execute0_lowered;
	[smem:$0x3FD2] =	sst s25  }
0xa7: {  	s6 =	sshll.u32 s26, $0x1;
	_ =	strace $0x80000046;
	[dreg:$0x1] =	wrdreg $0xFFFFFFFF  }
0xa8: {  	s28 =	simm.s32 $_size_execute0_lowered;
	s4 =	sadd.s32 s4, s6;
	[dreg:$0x0] =	wrdreg $0x0  }
0xa9: {  	s6 =	sshll.u32 s28, $0x1;
	[dreg:$0x2] =	wrdreg s4  }
0xaa: {  	[dreg:$0x3] =	wrdreg s6  }
0xab: {  	[dreg:$0x4] =	wrdreg $0xC0  }
0xac: {  	_ =	task [dreg:s8], $0x5FFFF  }
0xad: {  	[dreg:$0x1] =	wrdreg $0xFFFFFFFF  }
0xae: {  	[dreg:$0x0] =	wrdreg $0x60  }
0xaf: {  	[dreg:$0x2] =	wrdreg s2  }
0xb0: {  	[dreg:$0x3] =	wrdreg s24  }
0xb1: {  	[dreg:$0x4] =	wrdreg s18  }
0xb2: {  	[dreg:$0x5] =	wrdreg $0x9  }
0xb3: {  	_ =	task.clear_ibuf [dreg:s8], $0x6FFFF;
	_ =	strace $0x90000046  }
0xb4: {  	s29 =	simm.s32 $0x9;
	_ =	strace $0x80000048  }
0xb5: {  	_ =	swait.ge [sflag:s29], $0x1  }
0xb6: {  	[sflag:s29] =	ssyncadd.s32 $0xFFFFFFFF  }
0xb7: {  	_ =	strace $0x90000048  }
0xb8: {  	_ =	sfence  }
0xb9: {  	s30 =	sld [smem:$0x0];
	_ =	sdelay $0x2  }
0xba: {  	s31 =	sshll.u32 s1, $0xD;
	s1 =	sshrl.u32 s1, $0x2  }
0xbb: {  	s3 =	sand.u32 $0x4000, s31;
	s1 =	sadd.s32 s1, s30  }
0xbc: {  	s0 =	sor.u32 s3, s0;
	s1 =	sshll.u32 s1, $0x11  }
0xbd: {  	s0 =	sor.u32 s1, s0  }
0xbe: {  	s0 =	sadd.s32 $0x8F2B, s0  }
0xbf: {  	[sflag:s0] =	ssyncadd.remote.s32 $0x1  }
0xc0: {  	_ =	sfence.sel $0xFFFF  }
0xc1: {  	[dreg:$0x0] =	wrdreg $0xFFFFFFFF;
	(pc) =	sbr.abs _section_cstart, $3  }
0xc2: {  	[dreg:$0x1] =	wrdreg $0xFFFFFFFF  }
0xc3: {  	_ =	task.clear_ibuf [dreg:s8], $0x2FFFF;
	_ =	strace $0x9FFFFFFF  }
0xc4: {  	(tm) =	ssettm $0x7FFFFFFF  }
0xc5: {  	_ =	shalt  }
tec
execute0_lowered:
.L_overlay_start_1:
0x0: {  	(tag) =	ssettag $0x1  }
0x1: {  	s1 =	rddreg [dreg:$0x0]  }
0x2: {  	s0 =	srdreg.scid;
	s22 =	stileid.u32  }
0x3: {  	s2 =	rddreg [dreg:$0x1];
	s4 =	smul.u32 $0x180, s22  }
0x4: {  	s3 =	simm.s32 $0x0;
	s31 =	simm.s32 $0x80;
	s6 =	smul.u32 $0x60, s22  }
0x5: {  	s28 =	simm.s32 $0x0;
	s5 =	sand.u32 $0x1, s0;
	s30 =	smul.u32 $0x9C0, s22  }
0x6: {  	[smem:$0x7FF] =	sst s3;
	s11 =	sadd.s32 $0x1800, s2;
	s20 =	smul.u32 $0x1800, s22  }
0x7: {  	s12 =	sadd.s32 $0xDE00, s2;
	s13 =	sadd.s32 $0xE400, s2;
	s23 =	smul.u32 $0xC00, s22  }
0x8: {  	s15 =	sshrl.u32 s22, $0x3;
	s19 =	sshll.u32 s22, $0x7;
	s0 =	smul.u32 $0x1800, s5  }
0x9: {  	p0 =	sne.s32 s22, $0xF;
	_ =	strace $0x80000047;
	s16 =	smul.u32 $0x30000, s5  }
0xa: {  	s14 =	ssub.s32 $0x2, s5;
	s18 =	smul.u32 $0x18000, s15;
	s19 =	sand.u32 $0x380, s19  }
0xb: {  	s5 =	smul.u32 $0x18000, s5;
	s9 =	sadd.s32 s6, s2;
	s17 =	sshrl.u32 s14, $0x1  }
0xc: {  	s1 =	sadd.s32 s1, s30;
	s24 =	sadd.s32 s12, s6;
	s7 =	sadd.s32 s4, s0  }
0xd: {  	s4 =	sadd.s32 $0xD800, s2;
	s17 =	ssub.s32 s14, s17;
	s18 =	sadd.s32 s16, s18  }
0xe: {  	[dreg:$0x4] =	wrdreg s1;
	s9 =	sadd.s32 $0x1200, s9;
	s16 =	sadd.s32 s20, s16  }
0xf: {  	s20 =	smul.u32 $0xC000, s15;
	[dreg:$0x9] =	wrdreg s24;
	s24 =	simm.s32 $0x2  }
0x10: {  	s8 =	sshrl.u32 s7, $0x3;
	[dreg:$0x5] =	wrdreg s9;
	s14 =	sor.u32 s19, s18  }
0x11: {  	s18 =	sshrl.u32 s16, $0x3;
	s21 =	sadd.s32 s4, s6;
	s6 =	sadd.s32 s13, s6  }
0x12: {  	s17 =	smax.u32 s17, $0x1;
	p1 =	sgt.u32 s7, $0x2590;
	s10 =	sadd.s32 s8, s2  }
0x13: {  	s2 =	sadd.s32 $0xEA00, s2;
	s1 =	sshrl.u32 s14, $0x3;
	[dreg:$0x8] =	wrdreg s21  }
0x14: {  	[dreg:$0xa] =	wrdreg s6;
	s25 =	sadd.s32 s5, s20;
	s26 =	sadd.s32 s12, s8  }
0x15: {  	s29 =	sadd.s32 s13, s8;
	s1 =	sadd.s32 s11, s1;
	[dreg:$0xb] =	wrdreg s26  }
0x16: {  	s20 =	simm.s32 $0x1;
	[dreg:$0x6] =	wrdreg s1;
	s1 =	sadd.s32 s11, s18  }
0x17: {  	s21 =	simm.s32 $0x5000;
	[dreg:$0x7] =	wrdreg s1;
	s1 =	sadd.s32 s23, s5  }
0x18: {  	s6 =	sor.u32 s19, s25;
	[dreg:$0xc] =	wrdreg s29;
	s1 =	sshrl.u32 s1, $0x3  }
0x19: {  	s16 =	sadd.s32 $0x14A00, s10;
	s15 =	sadd.s32 s2, s1;
	s1 =	sadd.s32 $0xFFFFDA6F, s7  }
0x1a: {  	s30 =	sshrl.u32 s6, $0x3;
	s18 =	simm.s32 $0xEC00;
	p2 =	sgt.u32 @p1 s1, $0x17E  }
0x1b: {  	v1 =	vimm.f32 $0.0e+00;
	v2 =	vimm.f32 $1.000000000e+00;
	v0 =	vmov s0;
	s14 =	sadd.s32 s2, s30;
	s1 =	simm.s32 $0xBC00;
	p2 =	por p2, !p1  }
.LBB2_1:
0x1c: {  	s0 =	rddreg [dreg:$0x4]  }
0x1d: {  	[tilespmem:s3], [sflag:$0x1] =	stream.linear.gather [hbm4b:s0+s3], $0x5000, $0x38;
	[tilespmem:$0x12180] =	vst v63  }
0x1e: {  	s26 =	rddreg [dreg:$0x5];
	s2 =	simm.s32 $0xB000  }
0x1f: {  	[tilespmem:s2], [sflag:$0x1] =	stream.linear.gather [hbm4b:s26+s3], $0x300, $0x38;
	[tilespmem:$0x12180] =	vst v63  }
0x20: {  	s29 =	rddreg [dreg:$0x2];
	s30 =	simm.s32 $0x12100;
	s0 =	simm.s32 $0x5040  }
0x21: {  	[tilespmem:s30], [sflag:$0x1] =	stream.linear.gather [hbm4b:s29+s3], $0x80, $0x38;
	[tilespmem:$0x12180] =	vst v63  }
0x22: {  	[tilespmem:s0+$0xFFFFFFC0] =	vst v1  }
0x23: {  	[tilespmem:s0+$0x30] =	vst v1  }
0x24: {  	[tilespmem:s0+$0x20] =	vst v1  }
0x25: {  	[tilespmem:s0+$0x10] =	vst v1  }
0x26: {  	[tilespmem:s0+$0x0] =	vst v1  }
0x27: {  	[tilespmem:s0+$0xFFFFFFF0] =	vst v1  }
0x28: {  	s2 =	simm.s32 $0x0;
	[tilespmem:s0+$0xFFFFFFE0] =	vst v1  }
.LBB2_2:
0x29: {  	s2 =	sadd.s32 $0x8, s2;
	[tilespmem:s0+$0xFFFFFFD0] =	vst v1;
	s0 =	sadd.s32 $0x80, s0  }
0x2a: {  	[tilespmem:s0+$0xFFFFFFC0] =	vst v1;
	p3 =	slt.u32 s2, $0x2F8  }
0x2b: {  	[tilespmem:s0+$0x30] =	vst v1  }
.Ltmp0:
0x2c: {  	[tilespmem:s0+$0x20] =	vst v1;
	(pc) =	sbr.rel @p3 .LBB2_2-.Ltmp0, $4  }
0x2d: {  	[tilespmem:s0+$0x10] =	vst v1  }
0x2e: {  	[tilespmem:s0+$0x0] =	vst v1  }
0x2f: {  	[tilespmem:s0+$0xFFFFFFF0] =	vst v1  }
0x30: {  	[tilespmem:s0+$0xFFFFFFE0] =	vst v1  }
0x31: {  	[tilespmem:s0+$0xFFFFFFD0] =	vst v1  }
0x32: {  	_ =	swait.ge [sflag:s20], $0x5000  }
0x33: {  	[sflag:s20] =	ssyncset.done $0x0  }
0x34: {  	[sflag:s20] =	ssyncadd.s32 $0xFFFFB000  }
0x35: {  	_ =	swait.ge [sflag:s20], $0x300  }
0x36: {  	[sflag:s20] =	ssyncset.done $0x0  }
0x37: {  	[sflag:s20] =	ssyncadd.s32 $0xFFFFFD00  }
0x38: {  	_ =	swait.ge [sflag:s20], $0x80  }
0x39: {  	[sflag:s20] =	ssyncset.done $0x0  }
0x3a: {  	s0 =	simm.s32 $0xF0;
	[sflag:s20] =	ssyncadd.s32 $0xFFFFFF80  }
0x3b: {  	v4 =	vld [tilespmem:s0+$0xFFFFFF90]  }
0x3c: {  	v5 =	vld [tilespmem:s0+$0x0]  }
0x3d: {  	v6 =	vld [tilespmem:s0+$0xFFFFFFF0]  }
0x3e: {  	v7 =	vld [tilespmem:s0+$0xFFFFFFE0]  }
0x3f: {  	v8 =	vld [tilespmem:s0+$0xFFFFFFD0]  }
0x40: {  	v9 =	vld [tilespmem:s0+$0xFFFFFFC0]  }
0x41: {  	v10 =	vld [tilespmem:s0+$0xFFFFFFB0]  }
0x42: {  	v3 =	vld [tilespmem:s0+$0xFFFFFFA0]  }
0x43: {  	[tilespmem:v4+s21+$0x0] =	vst.idx.add.f32.msk $0xffff, v2  }
0x44: {  	[tilespmem:v5+s21+$0x0] =	vst.idx.add.f32.msk $0xffff, v2  }
0x45: {  	[tilespmem:v6+s21+$0x0] =	vst.idx.add.f32.msk $0xffff, v2  }
0x46: {  	[tilespmem:v7+s21+$0x0] =	vst.idx.add.f32.msk $0xffff, v2  }
0x47: {  	[tilespmem:v8+s21+$0x0] =	vst.idx.add.f32.msk $0xffff, v2  }
0x48: {  	[tilespmem:v9+s21+$0x0] =	vst.idx.add.f32.msk $0xffff, v2  }
0x49: {  	s2 =	simm.s32 $0x0;
	[tilespmem:v10+s21+$0x0] =	vst.idx.add.f32.msk $0xffff, v2  }
.LBB2_4:
0x4a: {  	s2 =	sadd.s32 $0x80, s2;
	[tilespmem:v3+s21+$0x0] =	vst.idx.add.f32.msk $0xffff, v2;
	s0 =	sadd.s32 $0x100, s0  }
0x4b: {  	v4 =	vld [tilespmem:s0+$0xFFFFFF90];
	p3 =	slt.u32 s2, $0x2680  }
0x4c: {  	v5 =	vld [tilespmem:s0+$0x0]  }
0x4d: {  	v6 =	vld [tilespmem:s0+$0xFFFFFFF0]  }
0x4e: {  	v7 =	vld [tilespmem:s0+$0xFFFFFFE0]  }
0x4f: {  	v8 =	vld [tilespmem:s0+$0xFFFFFFD0]  }
0x50: {  	v9 =	vld [tilespmem:s0+$0xFFFFFFC0]  }
0x51: {  	v10 =	vld [tilespmem:s0+$0xFFFFFFB0]  }
0x52: {  	v3 =	vld [tilespmem:s0+$0xFFFFFFA0]  }
0x53: {  	[tilespmem:v4+s21+$0x0] =	vst.idx.add.f32.msk $0xffff, v2  }
0x54: {  	[tilespmem:v5+s21+$0x0] =	vst.idx.add.f32.msk $0xffff, v2  }
.Ltmp1:
0x55: {  	[tilespmem:v6+s21+$0x0] =	vst.idx.add.f32.msk $0xffff, v2;
	(pc) =	sbr.rel @p3 .LBB2_4-.Ltmp1, $4  }
0x56: {  	[tilespmem:v7+s21+$0x0] =	vst.idx.add.f32.msk $0xffff, v2  }
0x57: {  	[tilespmem:v8+s21+$0x0] =	vst.idx.add.f32.msk $0xffff, v2  }
0x58: {  	[tilespmem:v9+s21+$0x0] =	vst.idx.add.f32.msk $0xffff, v2  }
0x59: {  	[tilespmem:v10+s21+$0x0] =	vst.idx.add.f32.msk $0xffff, v2  }
.Ltmp2:
0x5a: {  	_ = 	snop;
	(pc) =	sbr.rel @p0 .LBB2_9-.Ltmp2, $2  }
0x5b: {  	_ =	sdelay $0x2  }
0x5c: {  	[tilespmem:v3+s21+$0x0] =	vst.idx.add.f32.msk $0xffff, v2  }
0x5d: {  	s0 =	simm.s32 $0x4E00;
	s2 =	simm.s32 $0x2700  }
0x5e: {  	s5 =	sand.u32 $0x70, s2;
	s6 =	sand.u32 $0x7F00, s0  }
0x5f: {  	s5 =	sor.u32 s5, s6  }
0x60: {  	v3 =	vld [tilespmem:s5+$0x80]  }
.LBB2_7:
0x61: {  	_ =	sdelay $0x1  }
0x62: {  	s2 =	sadd.s32 $0x10, s2  }
0x63: {  	p3 =	slt.u32 s2, $0x27F0  }
.Ltmp3:
0x64: {  	_ = 	snop;
	(pc) =	sbr.rel @p3 .LBB2_7-.Ltmp3, $4  }
0x65: {  	s0 =	sadd.s32 $0x20, s0  }
0x66: {  	s5 =	sand.u32 $0x70, s2;
	s6 =	sand.u32 $0x7F00, s0  }
0x67: {  	s5 =	sor.u32 s5, s6;
	[tilespmem:v3+s21+$0x0] =	vst.idx.add.f32.msk $0xffff, v2  }
0x68: {  	v3 =	vld [tilespmem:s5+$0x80]  }
0x69: {  	_ =	sdelay $0x7  }
0x6a: {  	[tilespmem:v3+s21+$0x0] =	vst.idx.add.f32.msk $0xffff, v2  }
.LBB2_9:
0x6b: {  	s0 =	rddreg [dreg:$0x6];
	s2 =	simm.s32 $0x400  }
0x6c: {  	[hbm4b:s0+s31] =	stream.strided.scatter [tilespmem:s21], [sflag:$0x2], $0x3000, s2, s31, $0x38;
	[tilespmem:$0x12180] =	vst v63  }
0x6d: {  	_ =	swait.ge [sflag:s24], $0x3000  }
0x6e: {  	[sflag:s24] =	ssyncset.done $0x0  }
0x6f: {  	[sflag:s24] =	ssyncadd.s32 $0xFFFFD000  }
0x70: {  	s25 =	simm.s32 $0x1800;
	s5 =	simm.s32 $0x18000;
	[bflag:$0x0] =	sbarrier.arrive $0xFFFF  }
0x71: {  	s6 =	simm.s32 $0x8000;
	s0 =	simm.s32 $0x0;
	s23 =	rddreg [dreg:$0x7]  }
0x72: {  	[tilespmem:s6], [sflag:$0x2] =	stream.strided.gather [hbm4b:s23+s25], $0x3000, s5, s25, $0x38;
	[tilespmem:$0x12180] =	vst v63  }
0x73: {  	s19 =	sand.u32 $0x1C00, s0;
	_ =	swait.ge [sflag:s24], $0x3000  }
0x74: {  	s2 =	sor.u32 $0x8000, s19;
	s5 =	sand.u32 $0x60, s0;
	[sflag:s24] =	ssyncset.done $0x0  }
0x75: {  	s7 =	sor.u32 s5, s2;
	[sflag:s24] =	ssyncadd.s32 $0xFFFFD000  }
0x76: {  	v3 =	vld [tilespmem:s7+$0x0]  }
0x77: {  	v4 =	vld [tilespmem:s7+$0x80];
	_ =	sdelay $0x1  }
0x78: {  	v5 =	vld [tilespmem:s7+$0x100];
	_ =	sdelay $0x1  }
0x79: {  	v6 =	vld [tilespmem:s7+$0x180]  }
0x7a: {  	v3 =	vadd.f32 v4, v3  }
0x7b: {  	v4 =	vld [tilespmem:s7+$0x200]  }
0x7c: {  	v3 =	vadd.f32 v5, v3  }
0x7d: {  	v5 =	vld [tilespmem:s7+$0x280]  }
0x7e: {  	v3 =	vadd.f32 v6, v3  }
0x7f: {  	v6 =	vld [tilespmem:s7+$0x300]  }
0x80: {  	v3 =	vadd.f32 v4, v3  }
0x81: {  	s6 =	sadd.s32 $0x9800, s19;
	v4 =	vld [tilespmem:s7+$0x380]  }
0x82: {  	s8 =	sor.u32 s5, s6;
	v3 =	vadd.f32 v5, v3  }
0x83: {  	s7 =	sadd.s32 $0x9880, s19;
	v5 =	vld [tilespmem:s8+$0x0]  }
0x84: {  	s9 =	sor.u32 s5, s7;
	v3 =	vadd.f32 v6, v3  }
0x85: {  	s8 =	sadd.s32 $0x9900, s19;
	v6 =	vld [tilespmem:s9+$0x0]  }
0x86: {  	s10 =	sor.u32 s5, s8;
	v3 =	vadd.f32 v4, v3  }
0x87: {  	s9 =	sadd.s32 $0x9980, s19;
	v4 =	vld [tilespmem:s10+$0x0]  }
0x88: {  	s11 =	sor.u32 s5, s9;
	v3 =	vadd.f32 v5, v3  }
0x89: {  	s10 =	sadd.s32 $0x9A00, s19;
	v5 =	vld [tilespmem:s11+$0x0]  }
0x8a: {  	s12 =	sor.u32 s5, s10;
	v3 =	vadd.f32 v6, v3  }
0x8b: {  	s11 =	sadd.s32 $0x9A80, s19;
	v6 =	vld [tilespmem:s12+$0x0]  }
0x8c: {  	s22 =	sor.u32 s5, s11;
	v3 =	vadd.f32 v4, v3  }
0x8d: {  	s12 =	sadd.s32 $0x9B00, s19;
	v4 =	vld [tilespmem:s22+$0x0]  }
0x8e: {  	s26 =	sor.u32 s5, s12;
	v3 =	vadd.f32 v5, v3  }
0x8f: {  	s19 =	sadd.s32 $0x9B80, s19;
	v5 =	vld [tilespmem:s26+$0x0]  }
0x90: {  	s13 =	sor.u32 s5, s19;
	v3 =	vadd.f32 v6, v3  }
0x91: {  	v6 =	vld [tilespmem:s13+$0x0]  }
0x92: {  	v3 =	vadd.f32 v4, v3;
	_ =	sdelay $0x1  }
0x93: {  	v3 =	vadd.f32 v5, v3;
	_ =	sdelay $0x1  }
0x94: {  	v3 =	vadd.f32 v6, v3;
	_ =	sdelay $0x1  }
0x95: {  	v3 =	vadd.f32 $1.000000000e+00, v3;
	_ =	sdelay $0x1  }
0x96: {  	v4 =	vshra.s32 v3, $0x1;
	v3 =	vmul.f32 $5.000000000e-01, v3  }
0x97: {  	v4 =	vsub.s32 $0x5F3759DF, v4  }
0x98: {  	v5 =	vmul.f32 v4, v3;
	_ =	sdelay $0x1  }
0x99: {  	v5 =	vmul.f32 v4, v5;
	_ =	sdelay $0x1  }
0x9a: {  	v5 =	vsub.f32 $1.500000000e+00, v5;
	_ =	sdelay $0x1  }
0x9b: {  	v4 =	vmul.f32 v4, v5;
	_ =	sdelay $0x1  }
0x9c: {  	v5 =	vmul.f32 v4, v3;
	_ =	sdelay $0x1  }
0x9d: {  	v5 =	vmul.f32 v5, v4;
	_ =	sdelay $0x1  }
0x9e: {  	v5 =	vsub.f32 $1.500000000e+00, v5;
	_ =	sdelay $0x1  }
0x9f: {  	v4 =	vmul.f32 v5, v4;
	_ =	sdelay $0x1  }
0xa0: {  	v3 =	vmul.f32 v4, v3;
	_ =	sdelay $0x1  }
0xa1: {  	s23 =	simm.s32 $0xB000;
	v3 =	vmul.f32 v3, v4  }
0xa2: {  	v5 =	vld [tilespmem:s23+$0x0]  }
0xa3: {  	v3 =	vsub.f32 $1.500000000e+00, v3;
	_ =	sdelay $0x1  }
0xa4: {  	v3 =	vmul.f32 v3, v4;
	_ =	sdelay $0x1  }
0xa5: {  	v4 =	vmul.f32 v3, v5  }
0xa6: {  	s25 =	simm.s32 $0xB300  }
0xa7: {  	s23 =	simm.s32 $0xB600;
	[tilespmem:s25+$0x0] =	vst v4  }
0xa8: {  	[tilespmem:s23+$0x0] =	vst v3  }
0xa9: {  	v5 =	vld [tilespmem:$0x12100];
	_ =	sdelay $0x2  }
0xaa: {  	v3 =	vmul.f32 v4, v3;
	_ =	sdelay $0x1  }
0xab: {  	v3 =	vadd.f32 v3, v5  }
0xac: {  	s5 =	sor.u32 $0x10, s5;
	s26 =	simm.s32 $0xB900  }
0xad: {  	s2 =	sor.u32 s5, s2;
	[tilespmem:s26+$0x0] =	vst v3  }
0xae: {  	v3 =	vld [tilespmem:s2+$0x0]  }
0xaf: {  	v4 =	vld [tilespmem:s2+$0x80];
	_ =	sdelay $0x1  }
0xb0: {  	v5 =	vld [tilespmem:s2+$0x100];
	_ =	sdelay $0x1  }
0xb1: {  	v6 =	vld [tilespmem:s2+$0x180]  }
0xb2: {  	v3 =	vadd.f32 v4, v3  }
0xb3: {  	v4 =	vld [tilespmem:s2+$0x200]  }
0xb4: {  	v3 =	vadd.f32 v5, v3  }
0xb5: {  	v5 =	vld [tilespmem:s2+$0x280]  }
0xb6: {  	v3 =	vadd.f32 v6, v3  }
0xb7: {  	v6 =	vld [tilespmem:s2+$0x300]  }
0xb8: {  	v3 =	vadd.f32 v4, v3  }
0xb9: {  	v4 =	vld [tilespmem:s2+$0x380]  }
0xba: {  	s6 =	sor.u32 s5, s6;
	v3 =	vadd.f32 v5, v3  }
0xbb: {  	v5 =	vld [tilespmem:s6+$0x0]  }
0xbc: {  	s7 =	sor.u32 s5, s7;
	v3 =	vadd.f32 v6, v3  }
0xbd: {  	v6 =	vld [tilespmem:s7+$0x0]  }
0xbe: {  	s8 =	sor.u32 s5, s8;
	v3 =	vadd.f32 v4, v3  }
0xbf: {  	v4 =	vld [tilespmem:s8+$0x0]  }
0xc0: {  	s13 =	sor.u32 s5, s9;
	v3 =	vadd.f32 v5, v3  }
0xc1: {  	v5 =	vld [tilespmem:s13+$0x0]  }
0xc2: {  	s22 =	sor.u32 s5, s10;
	v3 =	vadd.f32 v6, v3  }
0xc3: {  	v6 =	vld [tilespmem:s22+$0x0]  }
0xc4: {  	s23 =	sor.u32 s5, s11;
	v3 =	vadd.f32 v4, v3  }
0xc5: {  	v4 =	vld [tilespmem:s23+$0x0]  }
0xc6: {  	s25 =	sor.u32 s5, s12;
	v3 =	vadd.f32 v5, v3  }
0xc7: {  	v5 =	vld [tilespmem:s25+$0x0]  }
0xc8: {  	s26 =	sor.u32 s5, s19;
	v3 =	vadd.f32 v6, v3  }
0xc9: {  	v6 =	vld [tilespmem:s26+$0x0]  }
0xca: {  	v3 =	vadd.f32 v4, v3;
	_ =	sdelay $0x1  }
0xcb: {  	v3 =	vadd.f32 v5, v3;
	_ =	sdelay $0x1  }
0xcc: {  	v3 =	vadd.f32 v6, v3;
	_ =	sdelay $0x1  }
0xcd: {  	v3 =	vadd.f32 $1.000000000e+00, v3;
	_ =	sdelay $0x1  }
0xce: {  	v4 =	vshra.s32 v3, $0x1;
	v3 =	vmul.f32 $5.000000000e-01, v3  }
0xcf: {  	v4 =	vsub.s32 $0x5F3759DF, v4  }
0xd0: {  	v5 =	vmul.f32 v4, v3;
	_ =	sdelay $0x1  }
0xd1: {  	v5 =	vmul.f32 v4, v5;
	_ =	sdelay $0x1  }
0xd2: {  	v5 =	vsub.f32 $1.500000000e+00, v5;
	_ =	sdelay $0x1  }
0xd3: {  	v4 =	vmul.f32 v4, v5;
	_ =	sdelay $0x1  }
0xd4: {  	v5 =	vmul.f32 v4, v3;
	_ =	sdelay $0x1  }
0xd5: {  	v5 =	vmul.f32 v5, v4;
	_ =	sdelay $0x1  }
0xd6: {  	v5 =	vsub.f32 $1.500000000e+00, v5;
	_ =	sdelay $0x1  }
0xd7: {  	v4 =	vmul.f32 v5, v4;
	_ =	sdelay $0x1  }
0xd8: {  	v3 =	vmul.f32 v4, v3  }
0xd9: {  	s0 =	sand.u32 $0x380, s0  }
0xda: {  	s10 =	sor.u32 s0, s5;
	v3 =	vmul.f32 v3, v4  }
0xdb: {  	v5 =	vld [tilespmem:s10+$0xB000]  }
0xdc: {  	v3 =	vsub.f32 $1.500000000e+00, v3;
	_ =	sdelay $0x1  }
0xdd: {  	v3 =	vmul.f32 v3, v4;
	_ =	sdelay $0x1  }
0xde: {  	v4 =	vmul.f32 v3, v5  }
0xdf: {  	[tilespmem:s10+$0xB600] =	vst v3  }
0xe0: {  	[tilespmem:s10+$0xB300] =	vst v4  }
0xe1: {  	v3 =	vmul.f32 v4, v3;
	v4 =	vld [tilespmem:$0x12100]  }
0xe2: {  	s30 =	simm.s32 $0xB920  }
0xe3: {  	s29 =	simm.s32 $0x20;
	s31 =	simm.s32 $0xB320;
	s0 =	simm.s32 $0xB620  }
0xe4: {  	s19 =	simm.s32 $0x2;
	s2 =	simm.s32 $0xB020;
	s25 =	simm.s32 $0x100  }
.LBB2_10:
0xe5: {  	s19 =	sadd.s32 $0x2, s19;
	s11 =	sand.u32 $0x60, s29;
	s5 =	sand.u32 $0x1C00, s25  }
0xe6: {  	s12 =	sor.u32 $0x8000, s5;
	s23 =	sadd.s32 $0x9800, s5;
	s9 =	sadd.s32 $0x9880, s5;
	v3 =	vadd.f32 v3, v4  }
0xe7: {  	s8 =	sadd.s32 $0x9900, s5;
	s22 =	sadd.s32 $0x9980, s5;
	s13 =	sor.u32 s11, s12  }
0xe8: {  	s7 =	sadd.s32 $0x9A00, s5;
	s6 =	sadd.s32 $0x9A80, s5;
	s26 =	sadd.s32 $0x9B00, s5;
	[tilespmem:s10+$0xB900] =	vst v3  }
0xe9: {  	p3 =	slt.u32 s19, $0x2E;
	s5 =	sadd.s32 $0x9B80, s5;
	v3 =	vld [tilespmem:s13+$0x0]  }
0xea: {  	v4 =	vld [tilespmem:s13+$0x80];
	_ =	sdelay $0x1  }
0xeb: {  	v5 =	vld [tilespmem:s13+$0x100];
	_ =	sdelay $0x1  }
0xec: {  	v6 =	vld [tilespmem:s13+$0x180]  }
0xed: {  	v3 =	vadd.f32 v4, v3  }
0xee: {  	v4 =	vld [tilespmem:s13+$0x200]  }
0xef: {  	v3 =	vadd.f32 v5, v3  }
0xf0: {  	v5 =	vld [tilespmem:s13+$0x280]  }
0xf1: {  	v3 =	vadd.f32 v6, v3  }
0xf2: {  	v6 =	vld [tilespmem:s13+$0x300]  }
0xf3: {  	v3 =	vadd.f32 v4, v3  }
0xf4: {  	v4 =	vld [tilespmem:s13+$0x380]  }
0xf5: {  	s10 =	sor.u32 s11, s23;
	v3 =	vadd.f32 v5, v3  }
0xf6: {  	v5 =	vld [tilespmem:s10+$0x0]  }
0xf7: {  	s10 =	sor.u32 s11, s9;
	v3 =	vadd.f32 v6, v3  }
0xf8: {  	v6 =	vld [tilespmem:s10+$0x0]  }
0xf9: {  	s10 =	sor.u32 s11, s8;
	v3 =	vadd.f32 v4, v3  }
0xfa: {  	v4 =	vld [tilespmem:s10+$0x0]  }
0xfb: {  	s10 =	sor.u32 s11, s22;
	v3 =	vadd.f32 v5, v3  }
0xfc: {  	v5 =	vld [tilespmem:s10+$0x0]  }
0xfd: {  	s10 =	sor.u32 s11, s7;
	v3 =	vadd.f32 v6, v3  }
0xfe: {  	v6 =	vld [tilespmem:s10+$0x0]  }
0xff: {  	s10 =	sor.u32 s11, s6;
	v3 =	vadd.f32 v4, v3  }
0x100: {  	v4 =	vld [tilespmem:s10+$0x0]  }
0x101: {  	s10 =	sor.u32 s11, s26;
	v3 =	vadd.f32 v5, v3  }
0x102: {  	v5 =	vld [tilespmem:s10+$0x0]  }
0x103: {  	s10 =	sor.u32 s11, s5;
	v3 =	vadd.f32 v6, v3  }
0x104: {  	v6 =	vld [tilespmem:s10+$0x0]  }
0x105: {  	v3 =	vadd.f32 v4, v3;
	_ =	sdelay $0x1  }
0x106: {  	v3 =	vadd.f32 v5, v3;
	_ =	sdelay $0x1  }
0x107: {  	v3 =	vadd.f32 v6, v3;
	_ =	sdelay $0x1  }
0x108: {  	v3 =	vadd.f32 $1.000000000e+00, v3;
	_ =	sdelay $0x1  }
0x109: {  	v4 =	vshra.s32 v3, $0x1;
	v3 =	vmul.f32 $5.000000000e-01, v3  }
0x10a: {  	v4 =	vsub.s32 $0x5F3759DF, v4  }
0x10b: {  	v5 =	vmul.f32 v4, v3;
	_ =	sdelay $0x1  }
0x10c: {  	v5 =	vmul.f32 v4, v5;
	_ =	sdelay $0x1  }
0x10d: {  	v5 =	vsub.f32 $1.500000000e+00, v5;
	_ =	sdelay $0x1  }
0x10e: {  	v4 =	vmul.f32 v4, v5;
	_ =	sdelay $0x1  }
0x10f: {  	v5 =	vmul.f32 v4, v3;
	_ =	sdelay $0x1  }
0x110: {  	v5 =	vmul.f32 v5, v4;
	_ =	sdelay $0x1  }
0x111: {  	v5 =	vsub.f32 $1.500000000e+00, v5;
	_ =	sdelay $0x1  }
0x112: {  	v4 =	vmul.f32 v5, v4;
	_ =	sdelay $0x1  }
0x113: {  	v3 =	vmul.f32 v4, v3;
	_ =	sdelay $0x1  }
0x114: {  	v3 =	vmul.f32 v3, v4  }
0x115: {  	v5 =	vld [tilespmem:s2+$0x0]  }
0x116: {  	v3 =	vsub.f32 $1.500000000e+00, v3;
	_ =	sdelay $0x1  }
0x117: {  	v3 =	vmul.f32 v3, v4;
	_ =	sdelay $0x1  }
0x118: {  	v4 =	vmul.f32 v3, v5;
	_ =	sdelay $0x1  }
0x119: {  	[tilespmem:s31+$0x0] =	vst v4;
	v4 =	vmul.f32 v4, v3  }
0x11a: {  	[tilespmem:s0+$0x0] =	vst v3  }
0x11b: {  	v3 =	vld [tilespmem:$0x12100];
	_ =	sdelay $0x4  }
0x11c: {  	v3 =	vadd.f32 v4, v3  }
0x11d: {  	s11 =	sor.u32 $0x10, s11  }
0x11e: {  	s12 =	sor.u32 s11, s12;
	[tilespmem:s30+$0x0] =	vst v3  }
0x11f: {  	s10 =	sand.u32 $0x380, s29;
	v3 =	vld [tilespmem:s12+$0x0]  }
0x120: {  	s10 =	sor.u32 s10, s11;
	v4 =	vld [tilespmem:s12+$0x80]  }
0x121: {  	v5 =	vld [tilespmem:s10+$0xB000]  }
0x122: {  	v6 =	vld [tilespmem:s12+$0x100]  }
0x123: {  	v7 =	vld [tilespmem:s12+$0x180];
	_ =	sdelay $0x1  }
0x124: {  	v3 =	vadd.f32 v4, v3;
	v4 =	vld [tilespmem:s12+$0x200];
	_ =	sdelay $0x1  }
0x125: {  	v3 =	vadd.f32 v6, v3;
	v6 =	vld [tilespmem:s12+$0x280];
	_ =	sdelay $0x1  }
0x126: {  	v3 =	vadd.f32 v7, v3;
	v7 =	vld [tilespmem:s12+$0x300];
	_ =	sdelay $0x1  }
0x127: {  	v3 =	vadd.f32 v4, v3;
	v4 =	vld [tilespmem:s12+$0x380]  }
0x128: {  	s12 =	sor.u32 s11, s23  }
0x129: {  	v3 =	vadd.f32 v6, v3;
	v6 =	vld [tilespmem:s12+$0x0]  }
0x12a: {  	s9 =	sor.u32 s11, s9  }
0x12b: {  	v3 =	vadd.f32 v7, v3;
	v7 =	vld [tilespmem:s9+$0x0]  }
0x12c: {  	s8 =	sor.u32 s11, s8  }
0x12d: {  	v3 =	vadd.f32 v4, v3;
	v4 =	vld [tilespmem:s8+$0x0]  }
0x12e: {  	s8 =	sor.u32 s11, s22  }
0x12f: {  	v3 =	vadd.f32 v6, v3;
	v6 =	vld [tilespmem:s8+$0x0]  }
0x130: {  	s7 =	sor.u32 s11, s7  }
0x131: {  	v3 =	vadd.f32 v7, v3;
	v7 =	vld [tilespmem:s7+$0x0]  }
0x132: {  	s6 =	sor.u32 s11, s6  }
0x133: {  	v3 =	vadd.f32 v4, v3;
	v4 =	vld [tilespmem:s6+$0x0]  }
0x134: {  	s6 =	sor.u32 s11, s26  }
0x135: {  	v3 =	vadd.f32 v6, v3;
	v6 =	vld [tilespmem:s6+$0x0]  }
0x136: {  	s5 =	sor.u32 s11, s5  }
0x137: {  	v3 =	vadd.f32 v7, v3;
	v7 =	vld [tilespmem:s5+$0x0];
	_ =	sdelay $0x1  }
0x138: {  	v3 =	vadd.f32 v4, v3;
	_ =	sdelay $0x1  }
0x139: {  	v3 =	vadd.f32 v6, v3;
	_ =	sdelay $0x1  }
0x13a: {  	v3 =	vadd.f32 v7, v3;
	_ =	sdelay $0x1  }
0x13b: {  	v3 =	vadd.f32 $1.000000000e+00, v3;
	_ =	sdelay $0x1  }
0x13c: {  	v4 =	vshra.s32 v3, $0x1;
	v3 =	vmul.f32 $5.000000000e-01, v3  }
0x13d: {  	v4 =	vsub.s32 $0x5F3759DF, v4  }
0x13e: {  	v6 =	vmul.f32 v4, v3;
	_ =	sdelay $0x1  }
0x13f: {  	v6 =	vmul.f32 v4, v6;
	_ =	sdelay $0x1  }
0x140: {  	v6 =	vsub.f32 $1.500000000e+00, v6;
	_ =	sdelay $0x1  }
0x141: {  	v4 =	vmul.f32 v4, v6;
	_ =	sdelay $0x1  }
0x142: {  	v6 =	vmul.f32 v4, v3;
	_ =	sdelay $0x1  }
0x143: {  	v6 =	vmul.f32 v6, v4;
	_ =	sdelay $0x1  }
0x144: {  	v6 =	vsub.f32 $1.500000000e+00, v6;
	_ =	sdelay $0x1  }
0x145: {  	v4 =	vmul.f32 v6, v4;
	_ =	sdelay $0x1  }
0x146: {  	v3 =	vmul.f32 v4, v3;
	_ =	sdelay $0x1  }
0x147: {  	v3 =	vmul.f32 v3, v4;
	_ =	sdelay $0x1  }
0x148: {  	v3 =	vsub.f32 $1.500000000e+00, v3;
	_ =	sdelay $0x1  }
0x149: {  	v3 =	vmul.f32 v3, v4;
	_ =	sdelay $0x1  }
0x14a: {  	v4 =	vmul.f32 v3, v5;
	[tilespmem:s10+$0xB600] =	vst v3;
	_ =	sdelay $0x1  }
.Ltmp4:
0x14b: {  	[tilespmem:s10+$0xB300] =	vst v4;
	v3 =	vmul.f32 v4, v3;
	(pc) =	sbr.rel @p3 .LBB2_10-.Ltmp4, $3  }
0x14c: {  	v4 =	vld [tilespmem:$0x12100];
	_ =	sdelay $0x1  }
0x14d: {  	s31 =	sadd.s32 $0x20, s31;
	s0 =	sadd.s32 $0x20, s0;
	s30 =	sadd.s32 $0x20, s30  }
0x14e: {  	s25 =	sadd.s32 $0x100, s25;
	s29 =	sadd.s32 $0x20, s29;
	s2 =	sadd.s32 $0x20, s2  }
0x14f: {  	_ = 	snop  }
0x150: {  	s13 =	sand.u32 $0x1C00, s25;
	v3 =	vadd.f32 v3, v4  }
0x151: {  	s6 =	sand.u32 $0x60, s29;
	s5 =	sor.u32 $0x8000, s13  }
0x152: {  	s8 =	sor.u32 s6, s5;
	[tilespmem:s10+$0xB900] =	vst v3  }
0x153: {  	v3 =	vld [tilespmem:s8+$0x0]  }
0x154: {  	v28 =	vld [tilespmem:s8+$0x80];
	_ =	sdelay $0x1  }
0x155: {  	v5 =	vld [tilespmem:s8+$0x100];
	_ =	sdelay $0x1  }
0x156: {  	v6 =	vld [tilespmem:s8+$0x180]  }
0x157: {  	v3 =	vadd.f32 v28, v3  }
0x158: {  	v29 =	vld [tilespmem:s8+$0x200]  }
0x159: {  	v3 =	vadd.f32 v5, v3  }
0x15a: {  	v30 =	vld [tilespmem:s8+$0x280]  }
0x15b: {  	v3 =	vadd.f32 v6, v3  }
0x15c: {  	v31 =	vld [tilespmem:s8+$0x300]  }
0x15d: {  	v3 =	vadd.f32 v29, v3  }
0x15e: {  	s7 =	sadd.s32 $0x9800, s13;
	v32 =	vld [tilespmem:s8+$0x380]  }
0x15f: {  	s9 =	sor.u32 s6, s7;
	v3 =	vadd.f32 v30, v3  }
0x160: {  	s8 =	sadd.s32 $0x9880, s13;
	v33 =	vld [tilespmem:s9+$0x0]  }
0x161: {  	s23 =	sor.u32 s6, s8;
	v3 =	vadd.f32 v31, v3  }
0x162: {  	s9 =	sadd.s32 $0x9900, s13;
	v34 =	vld [tilespmem:s23+$0x0]  }
0x163: {  	s11 =	sor.u32 s6, s9;
	v3 =	vadd.f32 v32, v3  }
0x164: {  	s10 =	sadd.s32 $0x9980, s13;
	v35 =	vld [tilespmem:s11+$0x0]  }
0x165: {  	s12 =	sor.u32 s6, s10;
	v3 =	vadd.f32 v33, v3  }
0x166: {  	v36 =	vld [tilespmem:s12+$0x0];
	s11 =	sadd.s32 $0x9A00, s13  }
0x167: {  	s19 =	sor.u32 s6, s11;
	v3 =	vadd.f32 v34, v3  }
0x168: {  	s12 =	sadd.s32 $0x9A80, s13;
	v37 =	vld [tilespmem:s19+$0x0]  }
0x169: {  	s22 =	sor.u32 s6, s12;
	v3 =	vadd.f32 v35, v3  }
0x16a: {  	s25 =	sadd.s32 $0x9B00, s13;
	v38 =	vld [tilespmem:s22+$0x0]  }
0x16b: {  	s23 =	sor.u32 s6, s25;
	v3 =	vadd.f32 v36, v3  }
0x16c: {  	s26 =	sadd.s32 $0x9B80, s13;
	v39 =	vld [tilespmem:s23+$0x0]  }
0x16d: {  	s13 =	sor.u32 s6, s26;
	v3 =	vadd.f32 v37, v3  }
0x16e: {  	v40 =	vld [tilespmem:s13+$0x0]  }
0x16f: {  	v3 =	vadd.f32 v38, v3;
	_ =	sdelay $0x1  }
0x170: {  	v3 =	vadd.f32 v39, v3;
	_ =	sdelay $0x1  }
0x171: {  	v3 =	vadd.f32 v40, v3;
	_ =	sdelay $0x1  }
0x172: {  	v3 =	vadd.f32 $1.000000000e+00, v3;
	_ =	sdelay $0x1  }
0x173: {  	v41 =	vshra.s32 v3, $0x1;
	v3 =	vmul.f32 $5.000000000e-01, v3  }
0x174: {  	v4 =	vsub.s32 $0x5F3759DF, v41  }
0x175: {  	v42 =	vmul.f32 v4, v3;
	_ =	sdelay $0x1  }
0x176: {  	v5 =	vmul.f32 v4, v42;
	_ =	sdelay $0x1  }
0x177: {  	v5 =	vsub.f32 $1.500000000e+00, v5;
	_ =	sdelay $0x1  }
0x178: {  	v4 =	vmul.f32 v4, v5;
	_ =	sdelay $0x1  }
0x179: {  	v5 =	vmul.f32 v4, v3;
	_ =	sdelay $0x1  }
0x17a: {  	v5 =	vmul.f32 v5, v4;
	_ =	sdelay $0x1  }
0x17b: {  	v5 =	vsub.f32 $1.500000000e+00, v5;
	_ =	sdelay $0x1  }
0x17c: {  	v4 =	vmul.f32 v5, v4;
	_ =	sdelay $0x1  }
0x17d: {  	v3 =	vmul.f32 v4, v3;
	_ =	sdelay $0x1  }
0x17e: {  	v3 =	vmul.f32 v3, v4  }
0x17f: {  	v43 =	vld [tilespmem:s2+$0x0]  }
0x180: {  	v3 =	vsub.f32 $1.500000000e+00, v3;
	_ =	sdelay $0x1  }
0x181: {  	v3 =	vmul.f32 v3, v4;
	_ =	sdelay $0x1  }
0x182: {  	v4 =	vmul.f32 v3, v43;
	_ =	sdelay $0x1  }
0x183: {  	[tilespmem:s31+$0x0] =	vst v4  }
0x184: {  	[tilespmem:s0+$0x0] =	vst v3  }
0x185: {  	v44 =	vld [tilespmem:$0x12100];
	_ =	sdelay $0x2  }
0x186: {  	v3 =	vmul.f32 v4, v3;
	_ =	sdelay $0x1  }
0x187: {  	v3 =	vadd.f32 v3, v44  }
0x188: {  	s31 =	sor.u32 $0x10, s6  }
0x189: {  	s6 =	sor.u32 s31, s5;
	[tilespmem:s30+$0x0] =	vst v3  }
0x18a: {  	v3 =	vld [tilespmem:s6+$0x0]  }
0x18b: {  	v45 =	vld [tilespmem:s6+$0x80];
	_ =	sdelay $0x1  }
0x18c: {  	v46 =	vld [tilespmem:s6+$0x100];
	_ =	sdelay $0x1  }
0x18d: {  	v47 =	vld [tilespmem:s6+$0x180]  }
0x18e: {  	v3 =	vadd.f32 v45, v3  }
0x18f: {  	v48 =	vld [tilespmem:s6+$0x200]  }
0x190: {  	v3 =	vadd.f32 v46, v3  }
0x191: {  	v49 =	vld [tilespmem:s6+$0x280]  }
0x192: {  	v3 =	vadd.f32 v47, v3  }
0x193: {  	v50 =	vld [tilespmem:s6+$0x300]  }
0x194: {  	v3 =	vadd.f32 v48, v3  }
0x195: {  	v51 =	vld [tilespmem:s6+$0x380]  }
0x196: {  	s7 =	sor.u32 s31, s7;
	v3 =	vadd.f32 v49, v3  }
0x197: {  	v52 =	vld [tilespmem:s7+$0x0]  }
0x198: {  	s8 =	sor.u32 s31, s8;
	v3 =	vadd.f32 v50, v3  }
0x199: {  	v53 =	vld [tilespmem:s8+$0x0]  }
0x19a: {  	s9 =	sor.u32 s31, s9;
	v3 =	vadd.f32 v51, v3  }
0x19b: {  	v54 =	vld [tilespmem:s9+$0x0]  }
0x19c: {  	s10 =	sor.u32 s31, s10;
	v3 =	vadd.f32 v52, v3  }
0x19d: {  	v55 =	vld [tilespmem:s10+$0x0]  }
0x19e: {  	s11 =	sor.u32 s31, s11;
	v3 =	vadd.f32 v53, v3  }
0x19f: {  	v56 =	vld [tilespmem:s11+$0x0]  }
0x1a0: {  	s12 =	sor.u32 s31, s12;
	v3 =	vadd.f32 v54, v3  }
0x1a1: {  	v57 =	vld [tilespmem:s12+$0x0]  }
0x1a2: {  	s13 =	sor.u32 s31, s25;
	v3 =	vadd.f32 v55, v3  }
0x1a3: {  	v58 =	vld [tilespmem:s13+$0x0]  }
0x1a4: {  	s19 =	sor.u32 s31, s26;
	v3 =	vadd.f32 v56, v3  }
0x1a5: {  	v59 =	vld [tilespmem:s19+$0x0]  }
0x1a6: {  	v3 =	vadd.f32 v57, v3;
	_ =	sdelay $0x1  }
0x1a7: {  	v3 =	vadd.f32 v58, v3;
	_ =	sdelay $0x1  }
0x1a8: {  	v3 =	vadd.f32 v59, v3;
	_ =	sdelay $0x1  }
0x1a9: {  	v3 =	vadd.f32 $1.000000000e+00, v3;
	_ =	sdelay $0x1  }
0x1aa: {  	v60 =	vshra.s32 v3, $0x1;
	v3 =	vmul.f32 $5.000000000e-01, v3  }
0x1ab: {  	v4 =	vsub.s32 $0x5F3759DF, v60  }
0x1ac: {  	v61 =	vmul.f32 v4, v3;
	_ =	sdelay $0x1  }
0x1ad: {  	v5 =	vmul.f32 v4, v61;
	_ =	sdelay $0x1  }
0x1ae: {  	v5 =	vsub.f32 $1.500000000e+00, v5;
	_ =	sdelay $0x1  }
0x1af: {  	v4 =	vmul.f32 v4, v5;
	_ =	sdelay $0x1  }
0x1b0: {  	v5 =	vmul.f32 v4, v3;
	_ =	sdelay $0x1  }
0x1b1: {  	v5 =	vmul.f32 v5, v4;
	_ =	sdelay $0x1  }
0x1b2: {  	v5 =	vsub.f32 $1.500000000e+00, v5;
	_ =	sdelay $0x1  }
0x1b3: {  	v4 =	vmul.f32 v5, v4;
	_ =	sdelay $0x1  }
0x1b4: {  	v3 =	vmul.f32 v4, v3  }
0x1b5: {  	s22 =	sand.u32 $0x380, s29  }
0x1b6: {  	s0 =	sor.u32 s22, s31;
	v3 =	vmul.f32 v3, v4  }
0x1b7: {  	v62 =	vld [tilespmem:s0+$0xB000]  }
0x1b8: {  	v3 =	vsub.f32 $1.500000000e+00, v3;
	_ =	sdelay $0x1  }
0x1b9: {  	v3 =	vmul.f32 v3, v4;
	_ =	sdelay $0x1  }
0x1ba: {  	v4 =	vmul.f32 v3, v62  }
0x1bb: {  	[tilespmem:s0+$0xB600] =	vst v3  }
0x1bc: {  	[tilespmem:s0+$0xB300] =	vst v4  }
0x1bd: {  	v63 =	vld [tilespmem:$0x12100];
	_ =	sdelay $0x2  }
0x1be: {  	v3 =	vmul.f32 v4, v3;
	_ =	sdelay $0x1  }
0x1bf: {  	v3 =	vadd.f32 v3, v63;
	_ =	sdelay $0x1  }
0x1c0: {  	s23 =	rddreg [dreg:$0x8];
	s25 =	simm.s32 $0xB300;
	[tilespmem:s0+$0xB900] =	vst v3  }
0x1c1: {  	[hbm4b:s23+s3] =	stream.linear.scatter [tilespmem:s25], [sflag:$0x1], $0x300, $0x38;
	[tilespmem:$0x12180] =	vst v63  }
0x1c2: {  	s29 =	simm.s32 $0xB600;
	s26 =	rddreg [dreg:$0x9]  }
0x1c3: {  	[hbm4b:s26+s3] =	stream.linear.scatter [tilespmem:s29], [sflag:$0x1], $0x300, $0x38;
	[tilespmem:$0x12180] =	vst v63  }
0x1c4: {  	s31 =	simm.s32 $0xB900;
	s30 =	rddreg [dreg:$0xa];
	s0 =	simm.s32 $0xEC40  }
0x1c5: {  	[hbm4b:s30+s3] =	stream.linear.scatter [tilespmem:s31], [sflag:$0x1], $0x300, $0x38;
	[tilespmem:$0x12180] =	vst v63  }
0x1c6: {  	[tilespmem:s0+$0xFFFFFFC0] =	vst v1  }
0x1c7: {  	[tilespmem:s0+$0x30] =	vst v1  }
0x1c8: {  	[tilespmem:s0+$0x20] =	vst v1  }
0x1c9: {  	[tilespmem:s0+$0x10] =	vst v1  }
0x1ca: {  	[tilespmem:s0+$0x0] =	vst v1  }
0x1cb: {  	[tilespmem:s0+$0xFFFFFFF0] =	vst v1  }
0x1cc: {  	s2 =	simm.s32 $0x0;
	[tilespmem:s0+$0xFFFFFFE0] =	vst v1  }
.LBB2_12:
0x1cd: {  	s2 =	sadd.s32 $0x8, s2;
	[tilespmem:s0+$0xFFFFFFD0] =	vst v1;
	s0 =	sadd.s32 $0x80, s0  }
0x1ce: {  	[tilespmem:s0+$0xFFFFFFC0] =	vst v1;
	p3 =	slt.u32 s2, $0x178  }
0x1cf: {  	[tilespmem:s0+$0x30] =	vst v1  }
.Ltmp5:
0x1d0: {  	[tilespmem:s0+$0x20] =	vst v1;
	(pc) =	sbr.rel @p3 .LBB2_12-.Ltmp5, $4  }
0x1d1: {  	[tilespmem:s0+$0x10] =	vst v1  }
0x1d2: {  	[tilespmem:s0+$0x0] =	vst v1  }
0x1d3: {  	[tilespmem:s0+$0xFFFFFFF0] =	vst v1  }
0x1d4: {  	[tilespmem:s0+$0xFFFFFFE0] =	vst v1  }
0x1d5: {  	[tilespmem:s0+$0xFFFFFFD0] =	vst v1  }
0x1d6: {  	[tilespmem:$0x10400] =	vst v1  }
0x1d7: {  	_ =	swait.ge [sflag:s20], $0x300  }
0x1d8: {  	[sflag:s20] =	ssyncset.done $0x0  }
0x1d9: {  	[sflag:s20] =	ssyncadd.s32 $0xFFFFFD00  }
0x1da: {  	_ =	swait.ge [sflag:s20], $0x300  }
0x1db: {  	[sflag:s20] =	ssyncset.done $0x0  }
0x1dc: {  	[sflag:s20] =	ssyncadd.s32 $0xFFFFFD00  }
0x1dd: {  	_ =	swait.ge [sflag:s20], $0x300  }
0x1de: {  	[sflag:s20] =	ssyncset.done $0x0  }
0x1df: {  	[sflag:s20] =	ssyncadd.s32 $0xFFFFFD00  }
0x1e0: {  	[bflag:$0x0] =	sbarrier.arrive $0xFFFF  }
0x1e1: {  	[tilespmem:s1], [sflag:$0x1] =	stream.linear.gather [hbm4b:s4+s3], $0x3000, $0x38;
	[tilespmem:$0x12180] =	vst v63  }
0x1e2: {  	s2 =	simm.s32 $0x11C80;
	s26 =	rddreg [dreg:$0xb]  }
0x1e3: {  	[tilespmem:s2], [sflag:$0x1] =	stream.linear.gather [hbm4b:s26+s3], $0x180, $0x38;
	[tilespmem:$0x12180] =	vst v63  }
0x1e4: {  	s30 =	simm.s32 $0x11E00;
	s29 =	rddreg [dreg:$0xc]  }
0x1e5: {  	[tilespmem:s30], [sflag:$0x1] =	stream.linear.gather [hbm4b:s29+s3], $0x180, $0x38;
	[tilespmem:$0x12180] =	vst v63  }
0x1e6: {  	_ =	swait.ge [sflag:s20], $0x3000  }
0x1e7: {  	[sflag:s20] =	ssyncset.done $0x0  }
0x1e8: {  	[sflag:s20] =	ssyncadd.s32 $0xFFFFD000  }
0x1e9: {  	_ =	swait.ge [sflag:s20], $0x180  }
0x1ea: {  	[sflag:s20] =	ssyncset.done $0x0  }
0x1eb: {  	[sflag:s20] =	ssyncadd.s32 $0xFFFFFE80  }
0x1ec: {  	_ =	swait.ge [sflag:s20], $0x180  }
0x1ed: {  	[sflag:s20] =	ssyncset.done $0x0  }
0x1ee: {  	s0 =	simm.s32 $0x80;
	[sflag:s20] =	ssyncadd.s32 $0xFFFFFE80  }
0x1ef: {  	v6 =	vld [tilespmem:s0+$0x10]  }
0x1f0: {  	v7 =	vld [tilespmem:s0+$0x0]  }
0x1f1: {  	v8 =	vld [tilespmem:s0+$0x60]  }
0x1f2: {  	v5 =	vld [tilespmem:s0+$0x20]  }
0x1f3: {  	v9 =	vld [tilespmem:s0+$0x30]  }
0x1f4: {  	v10 =	vld [tilespmem:s0+$0x40]  }
0x1f5: {  	v11 =	vld [tilespmem:s0+$0x50]  }
0x1f6: {  	v4 =	vld [tilespmem:s0+$0x70]  }
0x1f7: {  	v3 =	vld [tilespmem:s0+$0xFFFFFF80]  }
0x1f8: {  	v14 =	vld [tilespmem:s0+$0xFFFFFFD0]  }
0x1f9: {  	v12 =	vld [tilespmem:s0+$0xFFFFFFF0]  }
0x1fa: {  	v13 =	vld [tilespmem:s0+$0xFFFFFFE0]  }
0x1fb: {  	v15 =	vld [tilespmem:s0+$0xFFFFFFC0]  }
0x1fc: {  	v16 =	vld [tilespmem:s0+$0xFFFFFFB0]  }
0x1fd: {  	v17 =	vld [tilespmem:s0+$0xFFFFFFA0]  }
0x1fe: {  	v18 =	vld [tilespmem:s0+$0xFFFFFF90]  }
0x1ff: {  	v11 =	vsub.s32 v11, v0;
	v3 =	vld.idx.msk [tilespmem:v3+s1+$0x0], $0xffff  }
0x200: {  	v11 =	vmin.u32 v11, $0x1800;
	v14 =	vld.idx.msk [tilespmem:v14+s1+$0x0], $0xffff  }
0x201: {  	v12 =	vld.idx.msk [tilespmem:v12+s1+$0x0], $0xffff  }
0x202: {  	v19 =	vsub.s32 v4, v0;
	v4 =	vld.idx.msk [tilespmem:v13+s1+$0x0], $0xffff  }
0x203: {  	v10 =	vsub.s32 v10, v0;
	v62 =	vmin.u32 v19, $0x1800;
	v15 =	vld.idx.msk [tilespmem:v15+s1+$0x0], $0xffff  }
0x204: {  	v9 =	vsub.s32 v9, v0;
	v5 =	vsub.s32 v5, v0;
	v10 =	vmin.u32 v10, $0x1800;
	v16 =	vld.idx.msk [tilespmem:v16+s1+$0x0], $0xffff  }
0x205: {  	v9 =	vmin.u32 v9, $0x1800;
	v63 =	vmin.u32 v5, $0x1800;
	[tilespmem:v11+s18+$0x0] =	vst.idx.add.f32.msk $0xffff, v14  }
0x206: {  	v17 =	vld.idx.msk [tilespmem:v17+s1+$0x0], $0xffff;
	v11 =	vsub.s32 v6, v0;
	v6 =	vsub.s32 v7, v0;
	v7 =	vsub.s32 v8, v0  }
0x207: {  	v5 =	vld.idx.msk [tilespmem:v18+s1+$0x0], $0xffff;
	v7 =	vmin.u32 v7, $0x1800  }
0x208: {  	[tilespmem:v62+s18+$0x0] =	vst.idx.add.f32.msk $0xffff, v12;
	v8 =	vmin.u32 v11, $0x1800  }
0x209: {  	[tilespmem:v10+s18+$0x0] =	vst.idx.add.f32.msk $0xffff, v15;
	v6 =	vmin.u32 v6, $0x1800  }
0x20a: {  	[tilespmem:v9+s18+$0x0] =	vst.idx.add.f32.msk $0xffff, v16  }
0x20b: {  	s31 =	simm.s32 $0x80;
	s2 =	simm.s32 $0x0;
	[tilespmem:v63+s18+$0x0] =	vst.idx.add.f32.msk $0xffff, v17  }
.LBB2_14:
0x20c: {  	s2 =	sadd.s32 $0x80, s2;
	[tilespmem:v7+s18+$0x0] =	vst.idx.add.f32.msk $0xffff, v4;
	s0 =	sadd.s32 $0x100, s0  }
0x20d: {  	p3 =	slt.u32 s2, $0x2680;
	[tilespmem:v8+s18+$0x0] =	vst.idx.add.f32.msk $0xffff, v5  }
0x20e: {  	[tilespmem:v6+s18+$0x0] =	vst.idx.add.f32.msk $0xffff, v3  }
0x20f: {  	v3 =	vld [tilespmem:s0+$0x10]  }
0x210: {  	v4 =	vld [tilespmem:s0+$0x0]  }
0x211: {  	v5 =	vld [tilespmem:s0+$0x60]  }
0x212: {  	v6 =	vld [tilespmem:s0+$0x20]  }
0x213: {  	v7 =	vld [tilespmem:s0+$0x30]  }
0x214: {  	v8 =	vsub.s32 v3, v0;
	v3 =	vld [tilespmem:s0+$0x40]  }
0x215: {  	v9 =	vsub.s32 v4, v0;
	v4 =	vld [tilespmem:s0+$0x50]  }
0x216: {  	v10 =	vsub.s32 v5, v0;
	v5 =	vld [tilespmem:s0+$0x70]  }
0x217: {  	v11 =	vld [tilespmem:s0+$0xFFFFFF80];
	v6 =	vsub.s32 v6, v0  }
0x218: {  	v7 =	vsub.s32 v7, v0;
	v12 =	vld [tilespmem:s0+$0xFFFFFFF0]  }
0x219: {  	v13 =	vsub.s32 v3, v0;
	v14 =	vld [tilespmem:s0+$0xFFFFFFE0]  }
0x21a: {  	v15 =	vld [tilespmem:s0+$0xFFFFFFD0];
	v16 =	vsub.s32 v4, v0  }
0x21b: {  	v17 =	vld [tilespmem:s0+$0xFFFFFFC0]  }
0x21c: {  	v18 =	vld [tilespmem:s0+$0xFFFFFFB0]  }
0x21d: {  	v19 =	vld [tilespmem:s0+$0xFFFFFFA0]  }
0x21e: {  	v20 =	vld [tilespmem:s0+$0xFFFFFF90]  }
0x21f: {  	v3 =	vld.idx.msk [tilespmem:v11+s1+$0x0], $0xffff  }
0x220: {  	v5 =	vsub.s32 v5, v0;
	v11 =	vld.idx.msk [tilespmem:v12+s1+$0x0], $0xffff  }
0x221: {  	v5 =	vmin.u32 v5, $0x1800;
	v4 =	vld.idx.msk [tilespmem:v14+s1+$0x0], $0xffff  }
0x222: {  	v12 =	vld.idx.msk [tilespmem:v15+s1+$0x0], $0xffff  }
0x223: {  	v15 =	vmin.u32 v16, $0x1800;
	v14 =	vld.idx.msk [tilespmem:v17+s1+$0x0], $0xffff  }
0x224: {  	v13 =	vmin.u32 v13, $0x1800;
	v16 =	vld.idx.msk [tilespmem:v18+s1+$0x0], $0xffff  }
0x225: {  	v18 =	vmin.u32 v7, $0x1800;
	v17 =	vld.idx.msk [tilespmem:v19+s1+$0x0], $0xffff  }
0x226: {  	v19 =	vmin.u32 v6, $0x1800;
	[tilespmem:v5+s18+$0x0] =	vst.idx.add.f32.msk $0xffff, v11  }
.Ltmp6:
0x227: {  	v7 =	vmin.u32 v10, $0x1800;
	v5 =	vld.idx.msk [tilespmem:v20+s1+$0x0], $0xffff;
	(pc) =	sbr.rel @p3 .LBB2_14-.Ltmp6, $4  }
0x228: {  	v8 =	vmin.u32 v8, $0x1800;
	v6 =	vmin.u32 v9, $0x1800;
	[tilespmem:v15+s18+$0x0] =	vst.idx.add.f32.msk $0xffff, v12  }
0x229: {  	[tilespmem:v13+s18+$0x0] =	vst.idx.add.f32.msk $0xffff, v14  }
0x22a: {  	[tilespmem:v18+s18+$0x0] =	vst.idx.add.f32.msk $0xffff, v16  }
0x22b: {  	[tilespmem:v19+s18+$0x0] =	vst.idx.add.f32.msk $0xffff, v17  }
0x22c: {  	_ =	sdelay $0x1  }
.Ltmp7:
0x22d: {  	_ = 	snop;
	(pc) =	sbr.rel @p0 .LBB2_19-.Ltmp7, $4  }
0x22e: {  	_ = 	snop  }
0x22f: {  	[tilespmem:v7+s18+$0x0] =	vst.idx.add.f32.msk $0xffff, v4  }
0x230: {  	[tilespmem:v8+s18+$0x0] =	vst.idx.add.f32.msk $0xffff, v5  }
0x231: {  	[tilespmem:v6+s18+$0x0] =	vst.idx.add.f32.msk $0xffff, v3  }
0x232: {  	s0 =	simm.s32 $0x4E00;
	s2 =	simm.s32 $0x2700  }
0x233: {  	s5 =	sand.u32 $0x70, s2;
	s6 =	sand.u32 $0x7F00, s0  }
0x234: {  	s5 =	sor.u32 s5, s6  }
0x235: {  	v3 =	vld [tilespmem:s5+$0x0];
	_ =	sdelay $0x2  }
0x236: {  	v4 =	vld [tilespmem:s5+$0x80]  }
.LBB2_17:
0x237: {  	s2 =	sadd.s32 $0x10, s2;
	s0 =	sadd.s32 $0x20, s0  }
0x238: {  	s5 =	sand.u32 $0x70, s2;
	s6 =	sand.u32 $0x7F00, s0;
	p3 =	slt.u32 s2, $0x27F0  }
0x239: {  	s5 =	sor.u32 s5, s6;
	v5 =	vld.idx.msk [tilespmem:v3+s1+$0x0], $0xffff;
	v4 =	vsub.s32 v4, v0  }
0x23a: {  	v3 =	vld [tilespmem:s5+$0x0];
	v6 =	vmin.u32 v4, $0x1800  }
.Ltmp8:
0x23b: {  	(pc) =	sbr.rel @p3 .LBB2_17-.Ltmp8, $3  }
0x23c: {  	_ = 	snop  }
0x23d: {  	v4 =	vld [tilespmem:s5+$0x80];
	_ =	sdelay $0x1  }
0x23e: {  	[tilespmem:v6+s18+$0x0] =	vst.idx.add.f32.msk $0xffff, v5  }
0x23f: {  	_ =	sdelay $0x2  }
0x240: {  	v4 =	vsub.s32 v4, v0  }
0x241: {  	v3 =	vld.idx.msk [tilespmem:v3+s1+$0x0], $0xffff;
	v4 =	vmin.u32 v4, $0x1800;
	_ =	sdelay $0x4  }
0x242: {  	[tilespmem:v4+s18+$0x0] =	vst.idx.add.f32.msk $0xffff, v3  }
.LBB2_19:
0x243: {  	s0 =	simm.s32 $0x400  }
0x244: {  	[hbm4b:s14+s31] =	stream.strided.scatter [tilespmem:s18], [sflag:$0x2], $0x1800, s0, s31, $0x38;
	[tilespmem:$0x12180] =	vst v63  }
0x245: {  	_ =	swait.ge [sflag:s24], $0x1800  }
0x246: {  	[sflag:s24] =	ssyncset.done $0x0  }
0x247: {  	s19 =	simm.s32 $0xC00;
	s2 =	simm.s32 $0xC000;
	[sflag:s24] =	ssyncadd.s32 $0xFFFFE800  }
0x248: {  	s5 =	simm.s32 $0x10480;
	s0 =	simm.s32 $0x0;
	[bflag:$0x0] =	sbarrier.arrive $0xFFFF  }
0x249: {  	[tilespmem:s5], [sflag:$0x2] =	stream.strided.gather [hbm4b:s15+s19], $0x1800, s2, s19, $0x38;
	[tilespmem:$0x12180] =	vst v63  }
0x24a: {  	s2 =	sand.u32 $0xC00, s0;
	_ =	swait.ge [sflag:s24], $0x1800  }
0x24b: {  	s5 =	sand.u32 $0x60, s0;
	s6 =	sadd.s32 $0x10480, s2;
	[sflag:s24] =	ssyncset.done $0x0  }
0x24c: {  	s7 =	sor.u32 s5, s6;
	[sflag:s24] =	ssyncadd.s32 $0xFFFFE800  }
0x24d: {  	v3 =	vld [tilespmem:s7+$0x0]  }
0x24e: {  	v4 =	vld [tilespmem:s7+$0x80];
	_ =	sdelay $0x1  }
0x24f: {  	v5 =	vld [tilespmem:s7+$0x100];
	_ =	sdelay $0x1  }
0x250: {  	v6 =	vld [tilespmem:s7+$0x180]  }
0x251: {  	v3 =	vadd.f32 v4, v3  }
0x252: {  	v4 =	vld [tilespmem:s7+$0x200]  }
0x253: {  	v3 =	vadd.f32 v5, v3  }
0x254: {  	v5 =	vld [tilespmem:s7+$0x280]  }
0x255: {  	v3 =	vadd.f32 v6, v3  }
0x256: {  	v6 =	vld [tilespmem:s7+$0x300]  }
0x257: {  	v3 =	vadd.f32 v4, v3  }
0x258: {  	s8 =	sor.u32 $0x11080, s2;
	v4 =	vld [tilespmem:s7+$0x380]  }
0x259: {  	s22 =	sor.u32 s5, s8;
	v3 =	vadd.f32 v5, v3  }
0x25a: {  	s7 =	sor.u32 $0x11100, s2;
	v5 =	vld [tilespmem:s22+$0x0]  }
0x25b: {  	s9 =	sor.u32 s5, s7;
	v3 =	vadd.f32 v6, v3  }
0x25c: {  	s10 =	sor.u32 $0x11180, s2;
	v6 =	vld [tilespmem:s9+$0x0]  }
0x25d: {  	s23 =	sor.u32 s5, s10;
	v3 =	vadd.f32 v4, v3  }
0x25e: {  	s11 =	sor.u32 $0x11200, s2;
	v4 =	vld [tilespmem:s23+$0x0]  }
0x25f: {  	s25 =	sor.u32 s5, s11;
	v3 =	vadd.f32 v5, v3  }
0x260: {  	s12 =	sor.u32 $0x11280, s2;
	v5 =	vld [tilespmem:s25+$0x0]  }
0x261: {  	s26 =	sor.u32 s5, s12;
	v3 =	vadd.f32 v6, v3  }
0x262: {  	s13 =	sor.u32 $0x11300, s2;
	v6 =	vld [tilespmem:s26+$0x0]  }
0x263: {  	s30 =	sor.u32 s5, s13;
	v3 =	vadd.f32 v4, v3  }
0x264: {  	s19 =	sor.u32 $0x11380, s2;
	v4 =	vld [tilespmem:s30+$0x0]  }
0x265: {  	s22 =	sor.u32 s5, s19;
	v3 =	vadd.f32 v5, v3  }
0x266: {  	s2 =	sadd.s32 $0x11400, s2;
	v5 =	vld [tilespmem:s22+$0x0]  }
0x267: {  	s23 =	sor.u32 s5, s2;
	v3 =	vadd.f32 v6, v3  }
0x268: {  	v6 =	vld [tilespmem:s23+$0x0]  }
0x269: {  	s25 =	simm.s32 $0x11C80;
	v3 =	vadd.f32 v4, v3  }
0x26a: {  	v4 =	vld [tilespmem:s25+$0x0]  }
0x26b: {  	s26 =	simm.s32 $0x11E00;
	v3 =	vadd.f32 v5, v3  }
0x26c: {  	v5 =	vld [tilespmem:s26+$0x0]  }
0x26d: {  	v3 =	vadd.f32 v6, v3;
	_ =	sdelay $0x1  }
0x26e: {  	v3 =	vmul.f32 v3, v4;
	_ =	sdelay $0x1  }
0x26f: {  	v3 =	vadd.f32 v3, v5  }
0x270: {  	s5 =	sor.u32 $0x10, s5;
	s30 =	simm.s32 $0x11F80  }
0x271: {  	s6 =	sor.u32 s5, s6;
	[tilespmem:s30+$0x0] =	vst v3  }
0x272: {  	v3 =	vld [tilespmem:s6+$0x0]  }
0x273: {  	v4 =	vld [tilespmem:s6+$0x80];
	_ =	sdelay $0x1  }
0x274: {  	v5 =	vld [tilespmem:s6+$0x100];
	_ =	sdelay $0x1  }
0x275: {  	v6 =	vld [tilespmem:s6+$0x180]  }
0x276: {  	v3 =	vadd.f32 v4, v3  }
0x277: {  	v4 =	vld [tilespmem:s6+$0x200]  }
0x278: {  	v3 =	vadd.f32 v5, v3  }
0x279: {  	v5 =	vld [tilespmem:s6+$0x280]  }
0x27a: {  	v3 =	vadd.f32 v6, v3  }
0x27b: {  	v6 =	vld [tilespmem:s6+$0x300]  }
0x27c: {  	v3 =	vadd.f32 v4, v3  }
0x27d: {  	v4 =	vld [tilespmem:s6+$0x380]  }
0x27e: {  	s8 =	sor.u32 s5, s8;
	v3 =	vadd.f32 v5, v3  }
0x27f: {  	v5 =	vld [tilespmem:s8+$0x0]  }
0x280: {  	s9 =	sor.u32 s5, s7;
	v3 =	vadd.f32 v6, v3  }
0x281: {  	v6 =	vld [tilespmem:s9+$0x0]  }
0x282: {  	s22 =	sor.u32 s5, s10;
	v3 =	vadd.f32 v4, v3  }
0x283: {  	v4 =	vld [tilespmem:s22+$0x0]  }
0x284: {  	s23 =	sor.u32 s5, s11;
	v3 =	vadd.f32 v5, v3  }
0x285: {  	v5 =	vld [tilespmem:s23+$0x0]  }
0x286: {  	s25 =	sor.u32 s5, s12;
	v3 =	vadd.f32 v6, v3  }
0x287: {  	v6 =	vld [tilespmem:s25+$0x0]  }
0x288: {  	s26 =	sor.u32 s5, s13;
	v3 =	vadd.f32 v4, v3  }
0x289: {  	v4 =	vld [tilespmem:s26+$0x0]  }
0x28a: {  	s30 =	sor.u32 s5, s19;
	v3 =	vadd.f32 v5, v3  }
0x28b: {  	v5 =	vld [tilespmem:s30+$0x0]  }
0x28c: {  	s2 =	sor.u32 s5, s2;
	v3 =	vadd.f32 v6, v3  }
0x28d: {  	v6 =	vld [tilespmem:s2+$0x0]  }
0x28e: {  	s0 =	sand.u32 $0x180, s0;
	v3 =	vadd.f32 v4, v3  }
0x28f: {  	s29 =	sor.u32 s0, s5  }
0x290: {  	v4 =	vld [tilespmem:s29+$0x11C80];
	v3 =	vadd.f32 v5, v3;
	_ =	sdelay $0x1  }
0x291: {  	v5 =	vadd.f32 v6, v3;
	v3 =	vld [tilespmem:s29+$0x11E00];
	_ =	sdelay $0x1  }
0x292: {  	s0 =	simm.s32 $0x20;
	s5 =	simm.s32 $0x2;
	s19 =	simm.s32 $0x11E20  }
0x293: {  	s6 =	simm.s32 $0x100;
	s25 =	simm.s32 $0x11CA0;
	s2 =	simm.s32 $0x11FA0;
	v4 =	vmul.f32 v5, v4  }
.LBB2_20:
0x294: {  	s5 =	sadd.s32 $0x2, s5;
	s23 =	sand.u32 $0x60, s0;
	s13 =	sand.u32 $0xC00, s6  }
0x295: {  	s26 =	sadd.s32 $0x10480, s13;
	s22 =	sor.u32 $0x11080, s13;
	s12 =	sor.u32 $0x11180, s13;
	v3 =	vadd.f32 v4, v3  }
0x296: {  	s11 =	sor.u32 $0x11200, s13;
	s10 =	sor.u32 $0x11280, s13;
	s30 =	sor.u32 s23, s26  }
0x297: {  	s9 =	sor.u32 $0x11300, s13;
	s8 =	sor.u32 $0x11380, s13;
	s7 =	sadd.s32 $0x11400, s13;
	[tilespmem:s29+$0x11F80] =	vst v3  }
0x298: {  	p3 =	slt.u32 s5, $0x16;
	v3 =	vld [tilespmem:s30+$0x0]  }
0x299: {  	v4 =	vld [tilespmem:s30+$0x80];
	_ =	sdelay $0x1  }
0x29a: {  	v5 =	vld [tilespmem:s30+$0x100];
	_ =	sdelay $0x1  }
0x29b: {  	v6 =	vld [tilespmem:s30+$0x180]  }
0x29c: {  	v3 =	vadd.f32 v4, v3  }
0x29d: {  	v4 =	vld [tilespmem:s30+$0x200]  }
0x29e: {  	v3 =	vadd.f32 v5, v3  }
0x29f: {  	v5 =	vld [tilespmem:s30+$0x280]  }
0x2a0: {  	v3 =	vadd.f32 v6, v3  }
0x2a1: {  	v6 =	vld [tilespmem:s30+$0x300]  }
0x2a2: {  	v3 =	vadd.f32 v4, v3  }
0x2a3: {  	v4 =	vld [tilespmem:s30+$0x380]  }
0x2a4: {  	s29 =	sor.u32 s23, s22;
	v3 =	vadd.f32 v5, v3  }
0x2a5: {  	v5 =	vld [tilespmem:s29+$0x0];
	s29 =	sor.u32 $0x11100, s13  }
0x2a6: {  	v3 =	vadd.f32 v6, v3;
	s13 =	sor.u32 s23, s29  }
0x2a7: {  	v6 =	vld [tilespmem:s13+$0x0]  }
0x2a8: {  	s13 =	sor.u32 s23, s12;
	v3 =	vadd.f32 v4, v3  }
0x2a9: {  	v4 =	vld [tilespmem:s13+$0x0]  }
0x2aa: {  	s13 =	sor.u32 s23, s11;
	v3 =	vadd.f32 v5, v3  }
0x2ab: {  	v5 =	vld [tilespmem:s13+$0x0]  }
0x2ac: {  	s13 =	sor.u32 s23, s10;
	v3 =	vadd.f32 v6, v3  }
0x2ad: {  	v6 =	vld [tilespmem:s13+$0x0]  }
0x2ae: {  	s13 =	sor.u32 s23, s9;
	v3 =	vadd.f32 v4, v3  }
0x2af: {  	v4 =	vld [tilespmem:s13+$0x0]  }
0x2b0: {  	s13 =	sor.u32 s23, s8;
	v3 =	vadd.f32 v5, v3  }
0x2b1: {  	v5 =	vld [tilespmem:s13+$0x0]  }
0x2b2: {  	s13 =	sor.u32 s23, s7;
	v3 =	vadd.f32 v6, v3  }
0x2b3: {  	v6 =	vld [tilespmem:s13+$0x0]  }
0x2b4: {  	v3 =	vadd.f32 v4, v3  }
0x2b5: {  	v4 =	vld [tilespmem:s25+$0x0]  }
0x2b6: {  	v3 =	vadd.f32 v5, v3  }
0x2b7: {  	v5 =	vld [tilespmem:s19+$0x0]  }
0x2b8: {  	v3 =	vadd.f32 v6, v3;
	_ =	sdelay $0x1  }
0x2b9: {  	v3 =	vmul.f32 v3, v4;
	_ =	sdelay $0x1  }
0x2ba: {  	v3 =	vadd.f32 v3, v5  }
0x2bb: {  	s23 =	sor.u32 $0x10, s23  }
0x2bc: {  	s13 =	sor.u32 s23, s26;
	[tilespmem:s2+$0x0] =	vst v3  }
0x2bd: {  	v3 =	vld [tilespmem:s13+$0x0]  }
0x2be: {  	v4 =	vld [tilespmem:s13+$0x80];
	_ =	sdelay $0x1  }
0x2bf: {  	v5 =	vld [tilespmem:s13+$0x100]  }
0x2c0: {  	v6 =	vld [tilespmem:s13+$0x180];
	_ =	sdelay $0x1  }
0x2c1: {  	v3 =	vadd.f32 v4, v3;
	v4 =	vld [tilespmem:s13+$0x200];
	_ =	sdelay $0x1  }
0x2c2: {  	v3 =	vadd.f32 v5, v3;
	v5 =	vld [tilespmem:s13+$0x280];
	_ =	sdelay $0x1  }
0x2c3: {  	v3 =	vadd.f32 v6, v3;
	v6 =	vld [tilespmem:s13+$0x300];
	_ =	sdelay $0x1  }
0x2c4: {  	v3 =	vadd.f32 v4, v3;
	v4 =	vld [tilespmem:s13+$0x380]  }
0x2c5: {  	s13 =	sor.u32 s23, s22  }
0x2c6: {  	v3 =	vadd.f32 v5, v3;
	v5 =	vld [tilespmem:s13+$0x0]  }
0x2c7: {  	s13 =	sor.u32 s23, s29  }
0x2c8: {  	v3 =	vadd.f32 v6, v3;
	v6 =	vld [tilespmem:s13+$0x0]  }
0x2c9: {  	s12 =	sor.u32 s23, s12  }
0x2ca: {  	v3 =	vadd.f32 v4, v3;
	v4 =	vld [tilespmem:s12+$0x0]  }
0x2cb: {  	s11 =	sor.u32 s23, s11  }
0x2cc: {  	v3 =	vadd.f32 v5, v3;
	v5 =	vld [tilespmem:s11+$0x0]  }
0x2cd: {  	s10 =	sor.u32 s23, s10  }
0x2ce: {  	v3 =	vadd.f32 v6, v3;
	v6 =	vld [tilespmem:s10+$0x0]  }
0x2cf: {  	s9 =	sor.u32 s23, s9  }
0x2d0: {  	v3 =	vadd.f32 v4, v3;
	v4 =	vld [tilespmem:s9+$0x0]  }
0x2d1: {  	s8 =	sor.u32 s23, s8  }
0x2d2: {  	v3 =	vadd.f32 v5, v3;
	v5 =	vld [tilespmem:s8+$0x0]  }
0x2d3: {  	s7 =	sor.u32 s23, s7  }
0x2d4: {  	v3 =	vadd.f32 v6, v3;
	v6 =	vld [tilespmem:s7+$0x0];
	s7 =	sand.u32 $0x180, s0  }
0x2d5: {  	s29 =	sor.u32 s7, s23  }
0x2d6: {  	v3 =	vadd.f32 v4, v3;
	v4 =	vld [tilespmem:s29+$0x11C80];
	_ =	sdelay $0x1  }
.Ltmp9:
0x2d7: {  	v5 =	vadd.f32 v5, v3;
	v3 =	vld [tilespmem:s29+$0x11E00];
	(pc) =	sbr.rel @p3 .LBB2_20-.Ltmp9, $4  }
0x2d8: {  	_ = 	snop  }
0x2d9: {  	v5 =	vadd.f32 v6, v5  }
0x2da: {  	s19 =	sadd.s32 $0x20, s19;
	s2 =	sadd.s32 $0x20, s2  }
0x2db: {  	s6 =	sadd.s32 $0x100, s6;
	s25 =	sadd.s32 $0x20, s25;
	s0 =	sadd.s32 $0x20, s0;
	v4 =	vmul.f32 v5, v4  }
0x2dc: {  	_ = 	snop  }
0x2dd: {  	s5 =	sand.u32 $0xC00, s6;
	v3 =	vadd.f32 v4, v3  }
0x2de: {  	s6 =	sand.u32 $0x60, s0;
	s7 =	sadd.s32 $0x10480, s5  }
0x2df: {  	s8 =	sor.u32 s6, s7;
	[tilespmem:s29+$0x11F80] =	vst v3  }
0x2e0: {  	v3 =	vld [tilespmem:s8+$0x0]  }
0x2e1: {  	v32 =	vld [tilespmem:s8+$0x80];
	_ =	sdelay $0x1  }
0x2e2: {  	v5 =	vld [tilespmem:s8+$0x100];
	_ =	sdelay $0x1  }
0x2e3: {  	v6 =	vld [tilespmem:s8+$0x180]  }
0x2e4: {  	v3 =	vadd.f32 v32, v3  }
0x2e5: {  	v33 =	vld [tilespmem:s8+$0x200]  }
0x2e6: {  	v3 =	vadd.f32 v5, v3  }
0x2e7: {  	v34 =	vld [tilespmem:s8+$0x280]  }
0x2e8: {  	v3 =	vadd.f32 v6, v3  }
0x2e9: {  	v35 =	vld [tilespmem:s8+$0x300]  }
0x2ea: {  	v3 =	vadd.f32 v33, v3  }
0x2eb: {  	s9 =	sor.u32 $0x11080, s5;
	v36 =	vld [tilespmem:s8+$0x380]  }
0x2ec: {  	s12 =	sor.u32 s6, s9;
	v3 =	vadd.f32 v34, v3  }
0x2ed: {  	v37 =	vld [tilespmem:s12+$0x0];
	s8 =	sor.u32 $0x11100, s5  }
0x2ee: {  	s10 =	sor.u32 s6, s8;
	v3 =	vadd.f32 v35, v3  }
0x2ef: {  	s11 =	sor.u32 $0x11180, s5;
	v38 =	vld [tilespmem:s10+$0x0]  }
0x2f0: {  	s13 =	sor.u32 s6, s11;
	v3 =	vadd.f32 v36, v3  }
0x2f1: {  	s12 =	sor.u32 $0x11200, s5;
	v39 =	vld [tilespmem:s13+$0x0]  }
0x2f2: {  	s22 =	sor.u32 s6, s12;
	v3 =	vadd.f32 v37, v3  }
0x2f3: {  	s13 =	sor.u32 $0x11280, s5;
	v40 =	vld [tilespmem:s22+$0x0]  }
0x2f4: {  	s23 =	sor.u32 s6, s13;
	v3 =	vadd.f32 v38, v3  }
0x2f5: {  	s22 =	sor.u32 $0x11300, s5;
	v41 =	vld [tilespmem:s23+$0x0]  }
0x2f6: {  	s26 =	sor.u32 s6, s22;
	v3 =	vadd.f32 v39, v3  }
0x2f7: {  	s23 =	sor.u32 $0x11380, s5;
	v42 =	vld [tilespmem:s26+$0x0]  }
0x2f8: {  	s29 =	sor.u32 s6, s23;
	v3 =	vadd.f32 v40, v3  }
0x2f9: {  	s5 =	sadd.s32 $0x11400, s5;
	v43 =	vld [tilespmem:s29+$0x0]  }
0x2fa: {  	s30 =	sor.u32 s6, s5;
	v3 =	vadd.f32 v41, v3  }
0x2fb: {  	v44 =	vld [tilespmem:s30+$0x0]  }
0x2fc: {  	v3 =	vadd.f32 v42, v3  }
0x2fd: {  	v45 =	vld [tilespmem:s25+$0x0]  }
0x2fe: {  	v3 =	vadd.f32 v43, v3  }
0x2ff: {  	v46 =	vld [tilespmem:s19+$0x0]  }
0x300: {  	v3 =	vadd.f32 v44, v3;
	_ =	sdelay $0x1  }
0x301: {  	v3 =	vmul.f32 v3, v45;
	_ =	sdelay $0x1  }
0x302: {  	v3 =	vadd.f32 v3, v46  }
0x303: {  	s6 =	sor.u32 $0x10, s6  }
0x304: {  	s7 =	sor.u32 s6, s7;
	[tilespmem:s2+$0x0] =	vst v3  }
0x305: {  	v3 =	vld [tilespmem:s7+$0x0]  }
0x306: {  	v47 =	vld [tilespmem:s7+$0x80];
	_ =	sdelay $0x1  }
0x307: {  	v48 =	vld [tilespmem:s7+$0x100];
	_ =	sdelay $0x1  }
0x308: {  	v49 =	vld [tilespmem:s7+$0x180]  }
0x309: {  	v3 =	vadd.f32 v47, v3  }
0x30a: {  	v50 =	vld [tilespmem:s7+$0x200]  }
0x30b: {  	v3 =	vadd.f32 v48, v3  }
0x30c: {  	v51 =	vld [tilespmem:s7+$0x280]  }
0x30d: {  	v3 =	vadd.f32 v49, v3  }
0x30e: {  	v52 =	vld [tilespmem:s7+$0x300]  }
0x30f: {  	v3 =	vadd.f32 v50, v3  }
0x310: {  	v53 =	vld [tilespmem:s7+$0x380]  }
0x311: {  	s9 =	sor.u32 s6, s9;
	v3 =	vadd.f32 v51, v3  }
0x312: {  	v54 =	vld [tilespmem:s9+$0x0]  }
0x313: {  	s10 =	sor.u32 s6, s8;
	v3 =	vadd.f32 v52, v3  }
0x314: {  	v55 =	vld [tilespmem:s10+$0x0]  }
0x315: {  	s11 =	sor.u32 s6, s11;
	v3 =	vadd.f32 v53, v3  }
0x316: {  	v56 =	vld [tilespmem:s11+$0x0]  }
0x317: {  	s12 =	sor.u32 s6, s12;
	v3 =	vadd.f32 v54, v3  }
0x318: {  	v57 =	vld [tilespmem:s12+$0x0]  }
0x319: {  	s19 =	sor.u32 s6, s13;
	v3 =	vadd.f32 v55, v3  }
0x31a: {  	v58 =	vld [tilespmem:s19+$0x0]  }
0x31b: {  	s25 =	sor.u32 s6, s22;
	v3 =	vadd.f32 v56, v3  }
0x31c: {  	v59 =	vld [tilespmem:s25+$0x0]  }
0x31d: {  	s26 =	sor.u32 s6, s23;
	v3 =	vadd.f32 v57, v3  }
0x31e: {  	v60 =	vld [tilespmem:s26+$0x0]  }
0x31f: {  	s29 =	sor.u32 s6, s5;
	v3 =	vadd.f32 v58, v3  }
0x320: {  	s30 =	sand.u32 $0x180, s0;
	v61 =	vld [tilespmem:s29+$0x0]  }
0x321: {  	s0 =	sor.u32 s30, s6;
	v3 =	vadd.f32 v59, v3  }
0x322: {  	v62 =	vld [tilespmem:s0+$0x11C80]  }
0x323: {  	v3 =	vadd.f32 v60, v3  }
0x324: {  	v63 =	vld [tilespmem:s0+$0x11E00]  }
0x325: {  	v3 =	vadd.f32 v61, v3;
	_ =	sdelay $0x1  }
0x326: {  	v3 =	vmul.f32 v3, v62;
	_ =	sdelay $0x1  }
0x327: {  	v3 =	vadd.f32 v3, v63;
	_ =	sdelay $0x1  }
0x328: {  	s2 =	simm.s32 @!p2 $0x11F80;
	[tilespmem:s0+$0x11F80] =	vst v3;
	s0 =	simm.s32 @!p2 $0x0  }
0x329: {  	[hbm4b:s16+s0] =	stream.linear.scatter @!p2 [tilespmem:s2], [sflag:$0x2], $0x10, $0x38;
	[tilespmem:$0x12180] =	vst v63  }
0x32a: {  	s0 =	simm.s32 @!p2 $0x2  }
0x32b: {  	s28 =	sadd.s32 $0x1, s28;
	_ =	swait.ge @!p2 [sflag:s0], $0x10  }
0x32c: {  	p3 =	sne.s32 s28, s17;
	[sflag:s0] =	ssyncset.done @!p2 $0x0  }
0x32d: {  	s2 =	simm.s32 @!p1 $0x11F80;
	[sflag:s0] =	ssyncadd.s32 @!p2 $0xFFFFFFF0;
	s0 =	simm.s32 @!p1 $0x0  }
0x32e: {  	[hbm4b:s16+s0] =	stream.linear.scatter @!p1 [tilespmem:s2], [sflag:$0x2], $0x180, $0x38;
	[tilespmem:$0x12180] =	vst v63  }
.Ltmp10:
0x32f: {  	_ = 	snop;
	(pc) =	sbr.rel @p3 .LBB2_1-.Ltmp10, $4  }
0x330: {  	s0 =	simm.s32 @!p1 $0x2  }
0x331: {  	_ =	swait.ge @!p1 [sflag:s0], $0x180  }
0x332: {  	[sflag:s0] =	ssyncset.done @!p1 $0x0  }
0x333: {  	[sflag:s0] =	ssyncadd.s32 @!p1 $0xFFFFFE80  }
0x334: {  	_ =	sfence.sel $0x180000  }
0x335: {  	[bflag:$0x0] =	sbarrier.arrive $0xFFFF  }
0x336: {  	_ =	strace $0x90000047  }
0x337: {  	s0 =	stileid.u32;
	[bflag:$0x2] =	sbarrier.arrive $0xFFFF  }
0x338: {  	p0 =	sne.s32 s0, $0x0;
	s0 =	rddreg [dreg:$0x3]  }
0x339: {  	s0 =	sadd.s32 @!p0 $0x100000, s0  }
0x33a: {  	[sflag:s0] =	ssyncadd.tile.s32 @!p0 $0x1;
	_ =	shalt  }
.Lfunc_end2:
_tile_overlayer_lowered:
.L_overlay_start_2:
0x33b: {  	(tag) =	ssettag $0x2  }
0x33c: {  	s0 =	rddreg [dreg:$0x0];
	s2 =	stileid.u32  }
0x33d: {  	s1 =	rddreg [dreg:$0x1];
	p0 =	sne.s32 s2, $0x0  }
0x33e: {  	s3 =	rddreg [dreg:$0x2];
	[bflag:$0x3] =	sbarrier.arrive $0xFFFF;
	s2 =	simm.s32 @!p0 $0x1C02  }
0x33f: {  	[timem:s3], [sflag:s2] =	dma.local @!p0 [hbm:s0], s1  }
0x340: {  	s0 =	simm.s32 @!p0 $0x2  }
0x341: {  	_ =	swait.ge @!p0 [sflag:s0], s1  }
0x342: {  	s1 =	ssub.s32 @!p0 $0x0, s1;
	[sflag:s0] =	ssyncset.done @!p0 $0x0  }
0x343: {  	[sflag:s0] =	ssyncadd.s32 @!p0 s1  }
0x344: {  	[bflag:$0x3] =	sbarrier.arrive $0xFFFF  }
0x345: {  	_ =	shalt  }

</sc_bundles>
